<compile_context>
chip_gen: v7x
topology: tpu7x:2x2x1
jax: 0.10.2.dev20260603
libtpu: 0.0.44.dev20260713+nightly
codegen_flags: <defaults>
</compile_context>

<pallas_src>
import functools
import math

import jax
import jax.numpy as jnp
from jax import lax
from jax.experimental import pallas as pl
from jax.experimental.pallas import tpu as pltpu
from jax.experimental.pallas import tpu_sc as plsc

VOCAB = 1_000_000
EMB = 32
B = 4096
L = 200
N = B * L

NC = 2
NS = 16
NW = NC * NS

IDX_MINOR = 128
CHUNK_TOK = 512
CHUNK_IROWS = CHUNK_TOK // IDX_MINOR
CHUNK_BT = CHUNK_TOK // 128
TRANS_MINOR = 129
CHUNKS_PER_L = B // CHUNK_TOK
N_CHUNKS_TOTAL = N // CHUNK_TOK
CHUNKS_PER_W = N_CHUNKS_TOTAL // NW

SCALE = math.sqrt(float(EMB))

_mesh = plsc.VectorSubcoreMesh(
    core_axis_name="c", subcore_axis_name="s", num_cores=NC, num_subcores=NS
)


@functools.partial(
    pl.kernel,
    out_type=jax.ShapeDtypeStruct((L, EMB // 8, B // 128, 8, 128), jnp.float32),
    mesh=_mesh,
    scratch_types=[
        pltpu.VMEM((CHUNK_IROWS, IDX_MINOR), jnp.int32),
        pltpu.VMEM((CHUNK_IROWS, IDX_MINOR), jnp.int32),
        pltpu.VMEM((CHUNK_TOK, EMB), jnp.float32),
        pltpu.VMEM((CHUNK_TOK, EMB), jnp.float32),
        pltpu.VMEM((EMB // 8, CHUNK_BT, 8, TRANS_MINOR), jnp.float32),
        pltpu.VMEM((EMB // 8, CHUNK_BT, 8, TRANS_MINOR), jnp.float32),
        pltpu.SemaphoreType.DMA,
        pltpu.SemaphoreType.DMA,
        pltpu.SemaphoreType.DMA,
        pltpu.SemaphoreType.DMA,
    ],
    compiler_params=pltpu.CompilerParams(
        use_tc_tiling_on_sc=False, needs_layout_passes=False
    ),
)
def _emb_lookup(
    idx_hbm, table_hbm, out_hbm,
    idx0, idx1, rows0, rows1, trans0, trans1,
    gsem0, gsem1, wsem0, wsem1,
):
    wid = lax.axis_index("s") * NC + lax.axis_index("c")
    base_c = wid * CHUNKS_PER_W
    lane_iota = lax.iota(jnp.int32, 16)
    zeros16 = jnp.zeros((16,), jnp.int32)
    et_lo = lane_iota >> 3
    et_hi = (lane_iota + 16) >> 3
    es_vec = lane_iota & 7
    bufs = (
        (idx0, rows0, trans0, gsem0, wsem0),
        (idx1, rows1, trans1, gsem1, wsem1),
    )

    def load_and_fire(ci, b):
        idxb, rowsb, _, gsemb, _ = bufs[b]
        c = base_c + ci
        pltpu.sync_copy(idx_hbm.at[pl.ds(c * CHUNK_IROWS, CHUNK_IROWS)], idxb)
        for j in range(CHUNK_IROWS):
            pltpu.async_copy(
                table_hbm.at[idxb.at[j]],
                rowsb.at[pl.ds(j * IDX_MINOR, IDX_MINOR)],
                gsemb,
            )

    def process(ci, b):
        idxb, rowsb, transb, gsemb, wsemb = bufs[b]
        c = base_c + ci
        l = c // CHUNKS_PER_L
        bt0 = (c % CHUNKS_PER_L) * CHUNK_BT
        out_win = out_hbm.at[l, :, pl.ds(bt0, CHUNK_BT)]
        trans_win = transb.at[:, :, :, pl.ds(0, 128)]
        for j in range(CHUNK_IROWS):
            pltpu.make_async_copy(
                table_hbm.at[idxb.at[j]],
                rowsb.at[pl.ds(j * IDX_MINOR, IDX_MINOR)],
                gsemb,
            ).wait()

        @pl.when(ci >= 2)
        def _():
            pltpu.make_async_copy(trans_win, out_win, wsemb).wait()

        @plsc.parallel_loop(0, CHUNK_TOK, unroll=4)
        def trans_body(t):
            btl_vec = zeros16 + (t >> 7)
            bl_vec = zeros16 + (t & 127)
            v0 = rowsb[t, pl.ds(0, 16)]
            v1 = rowsb[t, pl.ds(16, 16)]
            plsc.store_scatter(transb, [et_lo, btl_vec, es_vec, bl_vec], v0)
            plsc.store_scatter(transb, [et_hi, btl_vec, es_vec, bl_vec], v1)

        pltpu.async_copy(trans_win, out_win, wsemb)

    load_and_fire(0, 0)

    @pl.loop(0, CHUNKS_PER_W, step=2)
    def chunk_loop(cb):
        for b in range(2):
            ci = cb + b

            @pl.when(ci + 1 < CHUNKS_PER_W)
            def _():
                load_and_fire(ci + 1, 1 - b)

            process(ci, b)

    pltpu.make_async_copy(
        trans0.at[:, :, :, pl.ds(0, 128)],
        out_hbm.at[0, :, pl.ds(0, CHUNK_BT)], wsem0).wait()
    pltpu.make_async_copy(
        trans1.at[:, :, :, pl.ds(0, 128)],
        out_hbm.at[0, :, pl.ds(0, CHUNK_BT)], wsem1).wait()


_VBLK = 2048


def _w_prep_body(wt_ref, out_ref):
    out_ref[:, 0:EMB] = wt_ref[...].T * SCALE


def _w_prep(wt):
    return pl.pallas_call(
        _w_prep_body,
        grid=((VOCAB + _VBLK - 1) // _VBLK,),
        in_specs=[pl.BlockSpec((EMB, _VBLK), lambda i: (0, i))],
        out_specs=pl.BlockSpec((_VBLK, 128), lambda i: (i, 0)),
        out_shape=jax.ShapeDtypeStruct((VOCAB, 128), jnp.float32),
    )(wt)


def kernel(tokens, W):
    idx = jnp.reshape(tokens.T.astype(jnp.int32) * 4, (N // IDX_MINOR, IDX_MINOR))
    table = jnp.reshape(_w_prep(W.T), (4 * VOCAB, EMB))
    out5 = _emb_lookup(idx, table)
    return jnp.transpose(out5, (2, 4, 0, 1, 3)).reshape(B, L, EMB)

# --- scband reference (transcript-rebuilt; emitter-appended) ---
"""Pipeline reference for scband-token-embedding-66408784331282 (READ-ONLY COPY).

The authoritative reference and input builder live on the scoring server;
editing this copy changes nothing except your own understanding.
"""

import jax, jax.numpy as jnp
import numpy as np
import math

VOCAB = 1000000
EMB = 32
B = 4096
L = 200

def setup_inputs(seed: int = 0) -> dict:
    key = jax.random.key(seed)
    k_tok, k_w = jax.random.split(key)
    tokens = jax.random.randint(k_tok, (B, L), 0, VOCAB, dtype=jnp.int64 if jax.config.jax_enable_x64 else jnp.int32)
    W = jax.random.normal(k_w, (VOCAB, EMB), dtype=jnp.float32)
    return {"tokens": tokens, "W": W}

def reference(tokens, W):
    # TokenEmbedding.forward: embedding(tokens.long()) * sqrt(embed_size)
    emb = jnp.take(W, tokens, axis=0)
    return emb * math.sqrt(EMB)

if __name__ == "__main__":
    import jax
    _d = setup_inputs()
    print(jax.jit(kernel)(*tuple(_d.values())))

</pallas_src>

<mosaic_0001>
#map = affine_map<(d0, d1) -> (0, 0)>
#map1 = affine_map<(d0, d1) -> (0, 0, 0, 0, 0)>
module attributes {stable_mosaic.version = 14 : i64} {
  func.func @_emb_lookup(%arg0: i32, %arg1: i32, %arg2: memref<6400x128xi32, #tpu.memory_space<hbm>>, %arg3: memref<4000000x32xf32, #tpu.memory_space<hbm>>, %arg4: memref<200x4x32x8x128xf32, #tpu.memory_space<hbm>>, %arg5: memref<4x128xi32, #tpu.memory_space<vmem>>, %arg6: memref<4x128xi32, #tpu.memory_space<vmem>>, %arg7: memref<512x32xf32, #tpu.memory_space<vmem>>, %arg8: memref<512x32xf32, #tpu.memory_space<vmem>>, %arg9: memref<4x4x8x129xf32, #tpu.memory_space<vmem>>, %arg10: memref<4x4x8x129xf32, #tpu.memory_space<vmem>>, %arg11: memref<!tpu.dma_semaphore, #tpu.memory_space<semaphore_mem>>, %arg12: memref<!tpu.dma_semaphore, #tpu.memory_space<semaphore_mem>>, %arg13: memref<!tpu.dma_semaphore, #tpu.memory_space<semaphore_mem>>, %arg14: memref<!tpu.dma_semaphore, #tpu.memory_space<semaphore_mem>>) attributes {dimension_semantics = [#tpu.dimension_semantics<core_parallel>, #tpu.dimension_semantics<subcore_parallel>], iteration_bounds = array<i64: 2, 16>, scalar_prefetch = 0 : i64, scratch_operands = 10 : i64, tpu.core_type = #tpu.core_type<sc_vector_subcore>, window_params = [{transform_indices = #map}, {transform_indices = #map}, {transform_indices = #map1}]} {
    %mul3A = arith.constant 2 : i32
    %mul3A_0 = arith.muli %arg1, %mul3A : i32
    %add3A = arith.addi %mul3A_0, %arg0 : i32
    %mul3A_1 = arith.constant 50 : i32
    %mul3A_2 = arith.muli %add3A, %mul3A_1 : i32
    %iota3A = tpu.iota {dimensions = array<i32: 0>} : vector<16xi32>
    %broadcast_in_dim3A = arith.constant 0 : i32
    %broadcast_in_dim3A_3 = vector.broadcast %broadcast_in_dim3A : i32 to vector<16xi32>
    %shift_right_arithmetic3A = arith.constant 3 : i32
    %shift_right_arithmetic3A_4 = vector.broadcast %shift_right_arithmetic3A : i32 to vector<16xi32>
    %shift_right_arithmetic3A_5 = arith.shrsi %iota3A, %shift_right_arithmetic3A_4 : vector<16xi32>
    %add3A_6 = arith.constant 16 : i32
    %add3A_7 = vector.broadcast %add3A_6 : i32 to vector<16xi32>
    %add3A_8 = arith.addi %iota3A, %add3A_7 : vector<16xi32>
    %shift_right_arithmetic3A_9 = arith.constant 3 : i32
    %shift_right_arithmetic3A_10 = vector.broadcast %shift_right_arithmetic3A_9 : i32 to vector<16xi32>
    %shift_right_arithmetic3A_11 = arith.shrsi %add3A_8, %shift_right_arithmetic3A_10 : vector<16xi32>
    %and3A = arith.constant 7 : i32
    %and3A_12 = vector.broadcast %and3A : i32 to vector<16xi32>
    %and3A_13 = arith.andi %iota3A, %and3A_12 : vector<16xi32>
    %add3A_14 = arith.constant 0 : i32
    %add3A_15 = arith.addi %mul3A_2, %add3A_14 : i32
    %mul3A_16 = arith.constant 4 : i32
    %mul3A_17 = arith.muli %add3A_15, %mul3A_16 : i32
    "tpu.region"() ({
      %run_scoped3A = tpu.sem_alloc : memref<!tpu.dma_semaphore, #tpu.memory_space<semaphore_mem>>
      %dma_start3A_106 = arith.constant 0 : i32
      %dma_start3A_107 = tpu.memref_slice %arg2[%mul3A_17, %dma_start3A_106] : memref<6400x128xi32, #tpu.memory_space<hbm>> -> memref<4x128xi32, #tpu.memory_space<hbm>>
      %dma_start3A_108 = arith.constant 0 : i32
      %dma_start3A_109 = tpu.memref_slice %arg2[%mul3A_17, %dma_start3A_108] : memref<6400x128xi32, #tpu.memory_space<hbm>> -> memref<4x128xi32, #tpu.memory_space<hbm>>
      tpu.enqueue_dma source(%dma_start3A_109 : memref<4x128xi32, #tpu.memory_space<hbm>>) target(%arg5 : memref<4x128xi32, #tpu.memory_space<vmem>>) target_semaphore(%run_scoped3A : memref<!tpu.dma_semaphore, #tpu.memory_space<semaphore_mem>>)
      %dma_wait3A_110 = arith.constant 0 : i32
      %dma_wait3A_111 = tpu.memref_slice %arg2[%mul3A_17, %dma_wait3A_110] : memref<6400x128xi32, #tpu.memory_space<hbm>> -> memref<4x128xi32, #tpu.memory_space<hbm>>
      %dma_wait3A_112 = arith.constant 0 : i32
      %dma_wait3A_113 = tpu.memref_slice %arg2[%mul3A_17, %dma_wait3A_112] : memref<6400x128xi32, #tpu.memory_space<hbm>> -> memref<4x128xi32, #tpu.memory_space<hbm>>
      tpu.wait_dma2 semaphore(%run_scoped3A : memref<!tpu.dma_semaphore, #tpu.memory_space<semaphore_mem>>) src(%dma_wait3A_113 : memref<4x128xi32, #tpu.memory_space<hbm>>) dst(%arg5 : memref<4x128xi32, #tpu.memory_space<vmem>>)
      tpu.yield
    }) : () -> ()
    %dma_start3A = arith.constant 0 : i32
    %dma_start3A_18 = arith.constant 0 : i32
    %dma_start3A_19 = arith.constant 0 : i32
    %dma_start3A_20 = tpu.memref_slice %arg7[%dma_start3A_18, %dma_start3A_19] : memref<512x32xf32, #tpu.memory_space<vmem>> -> memref<128x32xf32, #tpu.memory_space<vmem>>
    %dma_start3A_21 = arith.constant 0 : i32
    %dma_start3A_22 = tpu.memref_slice %arg5[%dma_start3A, %dma_start3A_21] : memref<4x128xi32, #tpu.memory_space<vmem>> -> memref<1x128xi32, #tpu.memory_space<vmem>>
    %dma_start3A_23 = tpu.memref_squeeze %dma_start3A_22 : memref<1x128xi32, #tpu.memory_space<vmem>> -> memref<128xi32, #tpu.memory_space<vmem>>
    %dma_start3A_24 = arith.constant 0 : i32
    %dma_start3A_25 = arith.constant 0 : i32
    %dma_start3A_26 = tpu.memref_slice %arg3[%dma_start3A_24, %dma_start3A_25] : memref<4000000x32xf32, #tpu.memory_space<hbm>> -> memref<4000000x32xf32, #tpu.memory_space<hbm>>
    tpu.enqueue_indirect_dma source(%dma_start3A_26 : memref<4000000x32xf32, #tpu.memory_space<hbm>>) target(%dma_start3A_20 : memref<128x32xf32, #tpu.memory_space<vmem>>) offsets(%dma_start3A_23 : memref<128xi32, #tpu.memory_space<vmem>>) semaphore(%arg11 : memref<!tpu.dma_semaphore, #tpu.memory_space<semaphore_mem>>)
    %dma_start3A_27 = arith.constant 1 : i32
    %dma_start3A_28 = arith.constant 128 : i32
    %dma_start3A_29 = arith.constant 0 : i32
    %dma_start3A_30 = tpu.memref_slice %arg7[%dma_start3A_28, %dma_start3A_29] : memref<512x32xf32, #tpu.memory_space<vmem>> -> memref<128x32xf32, #tpu.memory_space<vmem>>
    %dma_start3A_31 = arith.constant 0 : i32
    %dma_start3A_32 = tpu.memref_slice %arg5[%dma_start3A_27, %dma_start3A_31] : memref<4x128xi32, #tpu.memory_space<vmem>> -> memref<1x128xi32, #tpu.memory_space<vmem>>
    %dma_start3A_33 = tpu.memref_squeeze %dma_start3A_32 : memref<1x128xi32, #tpu.memory_space<vmem>> -> memref<128xi32, #tpu.memory_space<vmem>>
    %dma_start3A_34 = arith.constant 0 : i32
    %dma_start3A_35 = arith.constant 0 : i32
    %dma_start3A_36 = tpu.memref_slice %arg3[%dma_start3A_34, %dma_start3A_35] : memref<4000000x32xf32, #tpu.memory_space<hbm>> -> memref<4000000x32xf32, #tpu.memory_space<hbm>>
    tpu.enqueue_indirect_dma source(%dma_start3A_36 : memref<4000000x32xf32, #tpu.memory_space<hbm>>) target(%dma_start3A_30 : memref<128x32xf32, #tpu.memory_space<vmem>>) offsets(%dma_start3A_33 : memref<128xi32, #tpu.memory_space<vmem>>) semaphore(%arg11 : memref<!tpu.dma_semaphore, #tpu.memory_space<semaphore_mem>>)
    %dma_start3A_37 = arith.constant 2 : i32
    %dma_start3A_38 = arith.constant 256 : i32
    %dma_start3A_39 = arith.constant 0 : i32
    %dma_start3A_40 = tpu.memref_slice %arg7[%dma_start3A_38, %dma_start3A_39] : memref<512x32xf32, #tpu.memory_space<vmem>> -> memref<128x32xf32, #tpu.memory_space<vmem>>
    %dma_start3A_41 = arith.constant 0 : i32
    %dma_start3A_42 = tpu.memref_slice %arg5[%dma_start3A_37, %dma_start3A_41] : memref<4x128xi32, #tpu.memory_space<vmem>> -> memref<1x128xi32, #tpu.memory_space<vmem>>
    %dma_start3A_43 = tpu.memref_squeeze %dma_start3A_42 : memref<1x128xi32, #tpu.memory_space<vmem>> -> memref<128xi32, #tpu.memory_space<vmem>>
    %dma_start3A_44 = arith.constant 0 : i32
    %dma_start3A_45 = arith.constant 0 : i32
    %dma_start3A_46 = tpu.memref_slice %arg3[%dma_start3A_44, %dma_start3A_45] : memref<4000000x32xf32, #tpu.memory_space<hbm>> -> memref<4000000x32xf32, #tpu.memory_space<hbm>>
    tpu.enqueue_indirect_dma source(%dma_start3A_46 : memref<4000000x32xf32, #tpu.memory_space<hbm>>) target(%dma_start3A_40 : memref<128x32xf32, #tpu.memory_space<vmem>>) offsets(%dma_start3A_43 : memref<128xi32, #tpu.memory_space<vmem>>) semaphore(%arg11 : memref<!tpu.dma_semaphore, #tpu.memory_space<semaphore_mem>>)
    %dma_start3A_47 = arith.constant 3 : i32
    %dma_start3A_48 = arith.constant 384 : i32
    %dma_start3A_49 = arith.constant 0 : i32
    %dma_start3A_50 = tpu.memref_slice %arg7[%dma_start3A_48, %dma_start3A_49] : memref<512x32xf32, #tpu.memory_space<vmem>> -> memref<128x32xf32, #tpu.memory_space<vmem>>
    %dma_start3A_51 = arith.constant 0 : i32
    %dma_start3A_52 = tpu.memref_slice %arg5[%dma_start3A_47, %dma_start3A_51] : memref<4x128xi32, #tpu.memory_space<vmem>> -> memref<1x128xi32, #tpu.memory_space<vmem>>
    %dma_start3A_53 = tpu.memref_squeeze %dma_start3A_52 : memref<1x128xi32, #tpu.memory_space<vmem>> -> memref<128xi32, #tpu.memory_space<vmem>>
    %dma_start3A_54 = arith.constant 0 : i32
    %dma_start3A_55 = arith.constant 0 : i32
    %dma_start3A_56 = tpu.memref_slice %arg3[%dma_start3A_54, %dma_start3A_55] : memref<4000000x32xf32, #tpu.memory_space<hbm>> -> memref<4000000x32xf32, #tpu.memory_space<hbm>>
    tpu.enqueue_indirect_dma source(%dma_start3A_56 : memref<4000000x32xf32, #tpu.memory_space<hbm>>) target(%dma_start3A_50 : memref<128x32xf32, #tpu.memory_space<vmem>>) offsets(%dma_start3A_53 : memref<128xi32, #tpu.memory_space<vmem>>) semaphore(%arg11 : memref<!tpu.dma_semaphore, #tpu.memory_space<semaphore_mem>>)
    %scan3A = arith.constant 0 : i32
    %scan3A_57 = arith.constant 25 : i32
    %scan3A_58 = arith.addi %scan3A, %scan3A_57 : i32
    %scan3A_59 = arith.constant 1 : i32
    scf.for %scan3A_106 = %scan3A to %scan3A_58 step %scan3A_59  : i32 {
      %mul3A_107 = arith.constant 2 : i32
      %mul3A_108 = arith.muli %scan3A_106, %mul3A_107 : i32
      %add3A_109 = arith.constant 0 : i32
      %add3A_110 = arith.addi %add3A_109, %mul3A_108 : i32
      %add3A_111 = arith.constant 0 : i32
      %add3A_112 = arith.addi %add3A_110, %add3A_111 : i32
      %add3A_113 = arith.constant 1 : i32
      %add3A_114 = arith.addi %add3A_112, %add3A_113 : i32
      %lt3A = arith.constant 50 : i32
      %lt3A_115 = arith.cmpi slt, %add3A_114, %lt3A : i32
      %convert_element_type3A = arith.extui %lt3A_115 : i1 to i32
      %cond3A = arith.constant 0 : i32
      %cond3A_116 = arith.cmpi ne, %convert_element_type3A, %cond3A : i32
      scf.if %cond3A_116 {
        %add3A_338 = arith.constant 1 : i32
        %add3A_339 = arith.addi %add3A_112, %add3A_338 : i32
        %add3A_340 = arith.addi %mul3A_2, %add3A_339 : i32
        %mul3A_341 = arith.constant 4 : i32
        %mul3A_342 = arith.muli %add3A_340, %mul3A_341 : i32
        "tpu.region"() ({
          %run_scoped3A = tpu.sem_alloc : memref<!tpu.dma_semaphore, #tpu.memory_space<semaphore_mem>>
          %dma_start3A_383 = arith.constant 0 : i32
          %dma_start3A_384 = tpu.memref_slice %arg2[%mul3A_342, %dma_start3A_383] : memref<6400x128xi32, #tpu.memory_space<hbm>> -> memref<4x128xi32, #tpu.memory_space<hbm>>
          %dma_start3A_385 = arith.constant 0 : i32
          %dma_start3A_386 = tpu.memref_slice %arg2[%mul3A_342, %dma_start3A_385] : memref<6400x128xi32, #tpu.memory_space<hbm>> -> memref<4x128xi32, #tpu.memory_space<hbm>>
          tpu.enqueue_dma source(%dma_start3A_386 : memref<4x128xi32, #tpu.memory_space<hbm>>) target(%arg6 : memref<4x128xi32, #tpu.memory_space<vmem>>) target_semaphore(%run_scoped3A : memref<!tpu.dma_semaphore, #tpu.memory_space<semaphore_mem>>)
          %dma_wait3A_387 = arith.constant 0 : i32
          %dma_wait3A_388 = tpu.memref_slice %arg2[%mul3A_342, %dma_wait3A_387] : memref<6400x128xi32, #tpu.memory_space<hbm>> -> memref<4x128xi32, #tpu.memory_space<hbm>>
          %dma_wait3A_389 = arith.constant 0 : i32
          %dma_wait3A_390 = tpu.memref_slice %arg2[%mul3A_342, %dma_wait3A_389] : memref<6400x128xi32, #tpu.memory_space<hbm>> -> memref<4x128xi32, #tpu.memory_space<hbm>>
          tpu.wait_dma2 semaphore(%run_scoped3A : memref<!tpu.dma_semaphore, #tpu.memory_space<semaphore_mem>>) src(%dma_wait3A_390 : memref<4x128xi32, #tpu.memory_space<hbm>>) dst(%arg6 : memref<4x128xi32, #tpu.memory_space<vmem>>)
          tpu.yield
        }) : () -> ()
        %dma_start3A_343 = arith.constant 0 : i32
        %dma_start3A_344 = arith.constant 0 : i32
        %dma_start3A_345 = arith.constant 0 : i32
        %dma_start3A_346 = tpu.memref_slice %arg8[%dma_start3A_344, %dma_start3A_345] : memref<512x32xf32, #tpu.memory_space<vmem>> -> memref<128x32xf32, #tpu.memory_space<vmem>>
        %dma_start3A_347 = arith.constant 0 : i32
        %dma_start3A_348 = tpu.memref_slice %arg6[%dma_start3A_343, %dma_start3A_347] : memref<4x128xi32, #tpu.memory_space<vmem>> -> memref<1x128xi32, #tpu.memory_space<vmem>>
        %dma_start3A_349 = tpu.memref_squeeze %dma_start3A_348 : memref<1x128xi32, #tpu.memory_space<vmem>> -> memref<128xi32, #tpu.memory_space<vmem>>
        %dma_start3A_350 = arith.constant 0 : i32
        %dma_start3A_351 = arith.constant 0 : i32
        %dma_start3A_352 = tpu.memref_slice %arg3[%dma_start3A_350, %dma_start3A_351] : memref<4000000x32xf32, #tpu.memory_space<hbm>> -> memref<4000000x32xf32, #tpu.memory_space<hbm>>
        tpu.enqueue_indirect_dma source(%dma_start3A_352 : memref<4000000x32xf32, #tpu.memory_space<hbm>>) target(%dma_start3A_346 : memref<128x32xf32, #tpu.memory_space<vmem>>) offsets(%dma_start3A_349 : memref<128xi32, #tpu.memory_space<vmem>>) semaphore(%arg12 : memref<!tpu.dma_semaphore, #tpu.memory_space<semaphore_mem>>)
        %dma_start3A_353 = arith.constant 1 : i32
        %dma_start3A_354 = arith.constant 128 : i32
        %dma_start3A_355 = arith.constant 0 : i32
        %dma_start3A_356 = tpu.memref_slice %arg8[%dma_start3A_354, %dma_start3A_355] : memref<512x32xf32, #tpu.memory_space<vmem>> -> memref<128x32xf32, #tpu.memory_space<vmem>>
        %dma_start3A_357 = arith.constant 0 : i32
        %dma_start3A_358 = tpu.memref_slice %arg6[%dma_start3A_353, %dma_start3A_357] : memref<4x128xi32, #tpu.memory_space<vmem>> -> memref<1x128xi32, #tpu.memory_space<vmem>>
        %dma_start3A_359 = tpu.memref_squeeze %dma_start3A_358 : memref<1x128xi32, #tpu.memory_space<vmem>> -> memref<128xi32, #tpu.memory_space<vmem>>
        %dma_start3A_360 = arith.constant 0 : i32
        %dma_start3A_361 = arith.constant 0 : i32
        %dma_start3A_362 = tpu.memref_slice %arg3[%dma_start3A_360, %dma_start3A_361] : memref<4000000x32xf32, #tpu.memory_space<hbm>> -> memref<4000000x32xf32, #tpu.memory_space<hbm>>
        tpu.enqueue_indirect_dma source(%dma_start3A_362 : memref<4000000x32xf32, #tpu.memory_space<hbm>>) target(%dma_start3A_356 : memref<128x32xf32, #tpu.memory_space<vmem>>) offsets(%dma_start3A_359 : memref<128xi32, #tpu.memory_space<vmem>>) semaphore(%arg12 : memref<!tpu.dma_semaphore, #tpu.memory_space<semaphore_mem>>)
        %dma_start3A_363 = arith.constant 2 : i32
        %dma_start3A_364 = arith.constant 256 : i32
        %dma_start3A_365 = arith.constant 0 : i32
        %dma_start3A_366 = tpu.memref_slice %arg8[%dma_start3A_364, %dma_start3A_365] : memref<512x32xf32, #tpu.memory_space<vmem>> -> memref<128x32xf32, #tpu.memory_space<vmem>>
        %dma_start3A_367 = arith.constant 0 : i32
        %dma_start3A_368 = tpu.memref_slice %arg6[%dma_start3A_363, %dma_start3A_367] : memref<4x128xi32, #tpu.memory_space<vmem>> -> memref<1x128xi32, #tpu.memory_space<vmem>>
        %dma_start3A_369 = tpu.memref_squeeze %dma_start3A_368 : memref<1x128xi32, #tpu.memory_space<vmem>> -> memref<128xi32, #tpu.memory_space<vmem>>
        %dma_start3A_370 = arith.constant 0 : i32
        %dma_start3A_371 = arith.constant 0 : i32
        %dma_start3A_372 = tpu.memref_slice %arg3[%dma_start3A_370, %dma_start3A_371] : memref<4000000x32xf32, #tpu.memory_space<hbm>> -> memref<4000000x32xf32, #tpu.memory_space<hbm>>
        tpu.enqueue_indirect_dma source(%dma_start3A_372 : memref<4000000x32xf32, #tpu.memory_space<hbm>>) target(%dma_start3A_366 : memref<128x32xf32, #tpu.memory_space<vmem>>) offsets(%dma_start3A_369 : memref<128xi32, #tpu.memory_space<vmem>>) semaphore(%arg12 : memref<!tpu.dma_semaphore, #tpu.memory_space<semaphore_mem>>)
        %dma_start3A_373 = arith.constant 3 : i32
        %dma_start3A_374 = arith.constant 384 : i32
        %dma_start3A_375 = arith.constant 0 : i32
        %dma_start3A_376 = tpu.memref_slice %arg8[%dma_start3A_374, %dma_start3A_375] : memref<512x32xf32, #tpu.memory_space<vmem>> -> memref<128x32xf32, #tpu.memory_space<vmem>>
        %dma_start3A_377 = arith.constant 0 : i32
        %dma_start3A_378 = tpu.memref_slice %arg6[%dma_start3A_373, %dma_start3A_377] : memref<4x128xi32, #tpu.memory_space<vmem>> -> memref<1x128xi32, #tpu.memory_space<vmem>>
        %dma_start3A_379 = tpu.memref_squeeze %dma_start3A_378 : memref<1x128xi32, #tpu.memory_space<vmem>> -> memref<128xi32, #tpu.memory_space<vmem>>
        %dma_start3A_380 = arith.constant 0 : i32
        %dma_start3A_381 = arith.constant 0 : i32
        %dma_start3A_382 = tpu.memref_slice %arg3[%dma_start3A_380, %dma_start3A_381] : memref<4000000x32xf32, #tpu.memory_space<hbm>> -> memref<4000000x32xf32, #tpu.memory_space<hbm>>
        tpu.enqueue_indirect_dma source(%dma_start3A_382 : memref<4000000x32xf32, #tpu.memory_space<hbm>>) target(%dma_start3A_376 : memref<128x32xf32, #tpu.memory_space<vmem>>) offsets(%dma_start3A_379 : memref<128xi32, #tpu.memory_space<vmem>>) semaphore(%arg12 : memref<!tpu.dma_semaphore, #tpu.memory_space<semaphore_mem>>)
      } else {
      }
      %add3A_117 = arith.addi %mul3A_2, %add3A_112 : i32
      %jit3A = arith.constant 8 : i32
      %div3A = arith.divsi %add3A_117, %jit3A : i32
      %sign3A = arith.constant 0 : i32
      %sign3A_118 = arith.cmpi sgt, %add3A_117, %sign3A : i32
      %sign3A_119 = arith.extui %sign3A_118 : i1 to i32
      %sign3A_120 = arith.constant 0 : i32
      %sign3A_121 = arith.cmpi slt, %add3A_117, %sign3A_120 : i32
      %sign3A_122 = arith.extui %sign3A_121 : i1 to i32
      %sign3A_123 = arith.subi %sign3A_119, %sign3A_122 : i32
      %sign3A_124 = arith.constant 0 : i32
      %sign3A_125 = arith.cmpi sgt, %jit3A, %sign3A_124 : i32
      %sign3A_126 = arith.extui %sign3A_125 : i1 to i32
      %sign3A_127 = arith.constant 0 : i32
      %sign3A_128 = arith.cmpi slt, %jit3A, %sign3A_127 : i32
      %sign3A_129 = arith.extui %sign3A_128 : i1 to i32
      %sign3A_130 = arith.subi %sign3A_126, %sign3A_129 : i32
      %ne3A = arith.cmpi ne, %sign3A_123, %sign3A_130 : i32
      %rem3A = arith.remsi %add3A_117, %jit3A : i32
      %ne3A_131 = arith.constant 0 : i32
      %ne3A_132 = arith.cmpi ne, %rem3A, %ne3A_131 : i32
      %and3A_133 = arith.andi %ne3A, %ne3A_132 : i1
      %sub3A = arith.constant 1 : i32
      %sub3A_134 = arith.subi %div3A, %sub3A : i32
      %select_n3A = arith.select %and3A_133, %sub3A_134, %div3A : i32
      %jit3A_135 = arith.constant 8 : i32
      %eq3A = arith.constant 0 : i32
      %eq3A_136 = arith.cmpi eq, %jit3A_135, %eq3A : i32
      %jit3A_137 = arith.constant 1 : i32
      %select_n3A_138 = arith.select %eq3A_136, %jit3A_137, %jit3A_135 : i32
      %rem3A_139 = arith.remsi %add3A_117, %select_n3A_138 : i32
      %ne3A_140 = arith.constant 0 : i32
      %ne3A_141 = arith.cmpi ne, %rem3A_139, %ne3A_140 : i32
      %lt3A_142 = arith.constant 0 : i32
      %lt3A_143 = arith.cmpi slt, %rem3A_139, %lt3A_142 : i32
      %lt3A_144 = arith.constant 0 : i32
      %lt3A_145 = arith.cmpi slt, %select_n3A_138, %lt3A_144 : i32
      %ne3A_146 = arith.xori %lt3A_143, %lt3A_145 : i1
      %and3A_147 = arith.andi %ne3A_146, %ne3A_141 : i1
      %add3A_148 = arith.addi %rem3A_139, %select_n3A_138 : i32
      %select_n3A_149 = arith.select %and3A_147, %add3A_148, %rem3A_139 : i32
      %mul3A_150 = arith.constant 4 : i32
      %mul3A_151 = arith.muli %select_n3A_149, %mul3A_150 : i32
      %dma_wait3A_152 = arith.constant 0 : i32
      %dma_wait3A_153 = arith.constant 0 : i32
      %dma_wait3A_154 = arith.constant 0 : i32
      %dma_wait3A_155 = tpu.memref_slice %arg7[%dma_wait3A_153, %dma_wait3A_154] : memref<512x32xf32, #tpu.memory_space<vmem>> -> memref<128x32xf32, #tpu.memory_space<vmem>>
      %dma_wait3A_156 = arith.constant 0 : i32
      %dma_wait3A_157 = tpu.memref_slice %arg5[%dma_wait3A_152, %dma_wait3A_156] : memref<4x128xi32, #tpu.memory_space<vmem>> -> memref<1x128xi32, #tpu.memory_space<vmem>>
      %dma_wait3A_158 = tpu.memref_squeeze %dma_wait3A_157 : memref<1x128xi32, #tpu.memory_space<vmem>> -> memref<128xi32, #tpu.memory_space<vmem>>
      %dma_wait3A_159 = arith.constant 0 : i32
      %dma_wait3A_160 = arith.constant 0 : i32
      %dma_wait3A_161 = tpu.memref_slice %arg3[%dma_wait3A_159, %dma_wait3A_160] : memref<4000000x32xf32, #tpu.memory_space<hbm>> -> memref<4000000x32xf32, #tpu.memory_space<hbm>>
      tpu.wait_indirect_dma semaphore(%arg11 : memref<!tpu.dma_semaphore, #tpu.memory_space<semaphore_mem>>) src(%dma_wait3A_161 : memref<4000000x32xf32, #tpu.memory_space<hbm>>) dst(%dma_wait3A_155 : memref<128x32xf32, #tpu.memory_space<vmem>>)
      %dma_wait3A_162 = arith.constant 1 : i32
      %dma_wait3A_163 = arith.constant 128 : i32
      %dma_wait3A_164 = arith.constant 0 : i32
      %dma_wait3A_165 = tpu.memref_slice %arg7[%dma_wait3A_163, %dma_wait3A_164] : memref<512x32xf32, #tpu.memory_space<vmem>> -> memref<128x32xf32, #tpu.memory_space<vmem>>
      %dma_wait3A_166 = arith.constant 0 : i32
      %dma_wait3A_167 = tpu.memref_slice %arg5[%dma_wait3A_162, %dma_wait3A_166] : memref<4x128xi32, #tpu.memory_space<vmem>> -> memref<1x128xi32, #tpu.memory_space<vmem>>
      %dma_wait3A_168 = tpu.memref_squeeze %dma_wait3A_167 : memref<1x128xi32, #tpu.memory_space<vmem>> -> memref<128xi32, #tpu.memory_space<vmem>>
      %dma_wait3A_169 = arith.constant 0 : i32
      %dma_wait3A_170 = arith.constant 0 : i32
      %dma_wait3A_171 = tpu.memref_slice %arg3[%dma_wait3A_169, %dma_wait3A_170] : memref<4000000x32xf32, #tpu.memory_space<hbm>> -> memref<4000000x32xf32, #tpu.memory_space<hbm>>
      tpu.wait_indirect_dma semaphore(%arg11 : memref<!tpu.dma_semaphore, #tpu.memory_space<semaphore_mem>>) src(%dma_wait3A_171 : memref<4000000x32xf32, #tpu.memory_space<hbm>>) dst(%dma_wait3A_165 : memref<128x32xf32, #tpu.memory_space<vmem>>)
      %dma_wait3A_172 = arith.constant 2 : i32
      %dma_wait3A_173 = arith.constant 256 : i32
      %dma_wait3A_174 = arith.constant 0 : i32
      %dma_wait3A_175 = tpu.memref_slice %arg7[%dma_wait3A_173, %dma_wait3A_174] : memref<512x32xf32, #tpu.memory_space<vmem>> -> memref<128x32xf32, #tpu.memory_space<vmem>>
      %dma_wait3A_176 = arith.constant 0 : i32
      %dma_wait3A_177 = tpu.memref_slice %arg5[%dma_wait3A_172, %dma_wait3A_176] : memref<4x128xi32, #tpu.memory_space<vmem>> -> memref<1x128xi32, #tpu.memory_space<vmem>>
      %dma_wait3A_178 = tpu.memref_squeeze %dma_wait3A_177 : memref<1x128xi32, #tpu.memory_space<vmem>> -> memref<128xi32, #tpu.memory_space<vmem>>
      %dma_wait3A_179 = arith.constant 0 : i32
      %dma_wait3A_180 = arith.constant 0 : i32
      %dma_wait3A_181 = tpu.memref_slice %arg3[%dma_wait3A_179, %dma_wait3A_180] : memref<4000000x32xf32, #tpu.memory_space<hbm>> -> memref<4000000x32xf32, #tpu.memory_space<hbm>>
      tpu.wait_indirect_dma semaphore(%arg11 : memref<!tpu.dma_semaphore, #tpu.memory_space<semaphore_mem>>) src(%dma_wait3A_181 : memref<4000000x32xf32, #tpu.memory_space<hbm>>) dst(%dma_wait3A_175 : memref<128x32xf32, #tpu.memory_space<vmem>>)
      %dma_wait3A_182 = arith.constant 3 : i32
      %dma_wait3A_183 = arith.constant 384 : i32
      %dma_wait3A_184 = arith.constant 0 : i32
      %dma_wait3A_185 = tpu.memref_slice %arg7[%dma_wait3A_183, %dma_wait3A_184] : memref<512x32xf32, #tpu.memory_space<vmem>> -> memref<128x32xf32, #tpu.memory_space<vmem>>
      %dma_wait3A_186 = arith.constant 0 : i32
      %dma_wait3A_187 = tpu.memref_slice %arg5[%dma_wait3A_182, %dma_wait3A_186] : memref<4x128xi32, #tpu.memory_space<vmem>> -> memref<1x128xi32, #tpu.memory_space<vmem>>
      %dma_wait3A_188 = tpu.memref_squeeze %dma_wait3A_187 : memref<1x128xi32, #tpu.memory_space<vmem>> -> memref<128xi32, #tpu.memory_space<vmem>>
      %dma_wait3A_189 = arith.constant 0 : i32
      %dma_wait3A_190 = arith.constant 0 : i32
      %dma_wait3A_191 = tpu.memref_slice %arg3[%dma_wait3A_189, %dma_wait3A_190] : memref<4000000x32xf32, #tpu.memory_space<hbm>> -> memref<4000000x32xf32, #tpu.memory_space<hbm>>
      tpu.wait_indirect_dma semaphore(%arg11 : memref<!tpu.dma_semaphore, #tpu.memory_space<semaphore_mem>>) src(%dma_wait3A_191 : memref<4000000x32xf32, #tpu.memory_space<hbm>>) dst(%dma_wait3A_185 : memref<128x32xf32, #tpu.memory_space<vmem>>)
      %ge3A = arith.constant 2 : i32
      %ge3A_192 = arith.cmpi sge, %add3A_112, %ge3A : i32
      %convert_element_type3A_193 = arith.extui %ge3A_192 : i1 to i32
      %cond3A_194 = arith.constant 0 : i32
      %cond3A_195 = arith.cmpi ne, %convert_element_type3A_193, %cond3A_194 : i32
      scf.if %cond3A_195 {
        %dma_wait3A_338 = arith.constant 0 : i32
        %dma_wait3A_339 = arith.constant 0 : i32
        %dma_wait3A_340 = arith.constant 0 : i32
        %dma_wait3A_341 = arith.constant 0 : i32
        %dma_wait3A_342 = tpu.memref_slice %arg9[%dma_wait3A_338, %dma_wait3A_339, %dma_wait3A_340, %dma_wait3A_341] : memref<4x4x8x129xf32, #tpu.memory_space<vmem>> -> memref<4x4x8x128xf32, #tpu.memory_space<vmem>>
        %dma_wait3A_343 = arith.constant 0 : i32
        %dma_wait3A_344 = arith.constant 0 : i32
        %dma_wait3A_345 = arith.constant 0 : i32
        %dma_wait3A_346 = tpu.memref_slice %arg4[%select_n3A, %dma_wait3A_343, %mul3A_151, %dma_wait3A_344, %dma_wait3A_345] : memref<200x4x32x8x128xf32, #tpu.memory_space<hbm>> -> memref<1x4x4x8x128xf32, #tpu.memory_space<hbm>>
        %dma_wait3A_347 = tpu.memref_squeeze %dma_wait3A_346 : memref<1x4x4x8x128xf32, #tpu.memory_space<hbm>> -> memref<4x4x8x128xf32, #tpu.memory_space<hbm>>
        %dma_wait3A_348 = arith.constant 0 : i32
        %dma_wait3A_349 = arith.constant 0 : i32
        %dma_wait3A_350 = arith.constant 0 : i32
        %dma_wait3A_351 = tpu.memref_slice %arg4[%select_n3A, %dma_wait3A_348, %mul3A_151, %dma_wait3A_349, %dma_wait3A_350] : memref<200x4x32x8x128xf32, #tpu.memory_space<hbm>> -> memref<1x4x4x8x128xf32, #tpu.memory_space<hbm>>
        %dma_wait3A_352 = tpu.memref_squeeze %dma_wait3A_351 : memref<1x4x4x8x128xf32, #tpu.memory_space<hbm>> -> memref<4x4x8x128xf32, #tpu.memory_space<hbm>>
        %dma_wait3A_353 = arith.constant 0 : i32
        %dma_wait3A_354 = arith.constant 0 : i32
        %dma_wait3A_355 = arith.constant 0 : i32
        %dma_wait3A_356 = arith.constant 0 : i32
        %dma_wait3A_357 = tpu.memref_slice %arg9[%dma_wait3A_353, %dma_wait3A_354, %dma_wait3A_355, %dma_wait3A_356] : memref<4x4x8x129xf32, #tpu.memory_space<vmem>> -> memref<4x4x8x128xf32, #tpu.memory_space<vmem>>
        tpu.wait_dma2 semaphore(%arg13 : memref<!tpu.dma_semaphore, #tpu.memory_space<semaphore_mem>>) src(%dma_wait3A_357 : memref<4x4x8x128xf32, #tpu.memory_space<vmem>>) dst(%dma_wait3A_352 : memref<4x4x8x128xf32, #tpu.memory_space<hbm>>)
      } else {
      }
      %parallel_loop3A = arith.constant 0 : i32
      %parallel_loop3A_196 = arith.constant 512 : i32
      %parallel_loop3A_197 = arith.constant 1 : i32
      scf.for %parallel_loop3A_338 = %parallel_loop3A to %parallel_loop3A_196 step %parallel_loop3A_197  : i32 {
        %parallel_loop3A_339 = arith.constant 7 : i32
        %parallel_loop3A_340 = arith.shrsi %parallel_loop3A_338, %parallel_loop3A_339 : i32
        %parallel_loop3A_341 = vector.broadcast %parallel_loop3A_340 : i32 to vector<16xi32>
        %parallel_loop3A_342 = arith.addi %broadcast_in_dim3A_3, %parallel_loop3A_341 : vector<16xi32>
        %parallel_loop3A_343 = arith.constant 127 : i32
        %parallel_loop3A_344 = arith.andi %parallel_loop3A_338, %parallel_loop3A_343 : i32
        %parallel_loop3A_345 = vector.broadcast %parallel_loop3A_344 : i32 to vector<16xi32>
        %parallel_loop3A_346 = arith.addi %broadcast_in_dim3A_3, %parallel_loop3A_345 : vector<16xi32>
        %parallel_loop3A_347 = arith.index_cast %parallel_loop3A_338 : i32 to index
        %parallel_loop3A_348 = arith.constant 0 : index
        %parallel_loop3A_349 = tpu.vector_load %arg7[%parallel_loop3A_347, %parallel_loop3A_348] {strides = array<i32>} : memref<512x32xf32, #tpu.memory_space<vmem>>, vector<16xf32>,
        %parallel_loop3A_350 = arith.index_cast %parallel_loop3A_338 : i32 to index
        %parallel_loop3A_351 = arith.constant 16 : index
        %parallel_loop3A_352 = tpu.vector_load %arg7[%parallel_loop3A_350, %parallel_loop3A_351] {strides = array<i32>} : memref<512x32xf32, #tpu.memory_space<vmem>>, vector<16xf32>,
        tpu.vector_store_idx %arg9[%shift_right_arithmetic3A_5, %parallel_loop3A_342, %and3A_13, %parallel_loop3A_346], %parallel_loop3A_349 : memref<4x4x8x129xf32, #tpu.memory_space<vmem>>[vector<16xi32>, vector<16xi32>, vector<16xi32>, vector<16xi32>], vector<16xf32>,
        tpu.vector_store_idx %arg9[%shift_right_arithmetic3A_11, %parallel_loop3A_342, %and3A_13, %parallel_loop3A_346], %parallel_loop3A_352 : memref<4x4x8x129xf32, #tpu.memory_space<vmem>>[vector<16xi32>, vector<16xi32>, vector<16xi32>, vector<16xi32>], vector<16xf32>,
      } {sc.loop_unroll_factor = 4 : i64, sc.parallel_access}
      %dma_start3A_198 = arith.constant 0 : i32
      %dma_start3A_199 = arith.constant 0 : i32
      %dma_start3A_200 = arith.constant 0 : i32
      %dma_start3A_201 = arith.constant 0 : i32
      %dma_start3A_202 = tpu.memref_slice %arg9[%dma_start3A_198, %dma_start3A_199, %dma_start3A_200, %dma_start3A_201] : memref<4x4x8x129xf32, #tpu.memory_space<vmem>> -> memref<4x4x8x128xf32, #tpu.memory_space<vmem>>
      %dma_start3A_203 = arith.constant 0 : i32
      %dma_start3A_204 = arith.constant 0 : i32
      %dma_start3A_205 = arith.constant 0 : i32
      %dma_start3A_206 = tpu.memref_slice %arg4[%select_n3A, %dma_start3A_203, %mul3A_151, %dma_start3A_204, %dma_start3A_205] : memref<200x4x32x8x128xf32, #tpu.memory_space<hbm>> -> memref<1x4x4x8x128xf32, #tpu.memory_space<hbm>>
      %dma_start3A_207 = tpu.memref_squeeze %dma_start3A_206 : memref<1x4x4x8x128xf32, #tpu.memory_space<hbm>> -> memref<4x4x8x128xf32, #tpu.memory_space<hbm>>
      %dma_start3A_208 = arith.constant 0 : i32
      %dma_start3A_209 = arith.constant 0 : i32
      %dma_start3A_210 = arith.constant 0 : i32
      %dma_start3A_211 = tpu.memref_slice %arg4[%select_n3A, %dma_start3A_208, %mul3A_151, %dma_start3A_209, %dma_start3A_210] : memref<200x4x32x8x128xf32, #tpu.memory_space<hbm>> -> memref<1x4x4x8x128xf32, #tpu.memory_space<hbm>>
      %dma_start3A_212 = tpu.memref_squeeze %dma_start3A_211 : memref<1x4x4x8x128xf32, #tpu.memory_space<hbm>> -> memref<4x4x8x128xf32, #tpu.memory_space<hbm>>
      %dma_start3A_213 = arith.constant 0 : i32
      %dma_start3A_214 = arith.constant 0 : i32
      %dma_start3A_215 = arith.constant 0 : i32
      %dma_start3A_216 = arith.constant 0 : i32
      %dma_start3A_217 = tpu.memref_slice %arg9[%dma_start3A_213, %dma_start3A_214, %dma_start3A_215, %dma_start3A_216] : memref<4x4x8x129xf32, #tpu.memory_space<vmem>> -> memref<4x4x8x128xf32, #tpu.memory_space<vmem>>
      tpu.enqueue_dma source(%dma_start3A_217 : memref<4x4x8x128xf32, #tpu.memory_space<vmem>>) target(%dma_start3A_212 : memref<4x4x8x128xf32, #tpu.memory_space<hbm>>) target_semaphore(%arg13 : memref<!tpu.dma_semaphore, #tpu.memory_space<semaphore_mem>>)
      %add3A_218 = arith.constant 1 : i32
      %add3A_219 = arith.addi %add3A_110, %add3A_218 : i32
      %add3A_220 = arith.constant 1 : i32
      %add3A_221 = arith.addi %add3A_219, %add3A_220 : i32
      %lt3A_222 = arith.constant 50 : i32
      %lt3A_223 = arith.cmpi slt, %add3A_221, %lt3A_222 : i32
      %convert_element_type3A_224 = arith.extui %lt3A_223 : i1 to i32
      %cond3A_225 = arith.constant 0 : i32
      %cond3A_226 = arith.cmpi ne, %convert_element_type3A_224, %cond3A_225 : i32
      scf.if %cond3A_226 {
        %add3A_338 = arith.constant 1 : i32
        %add3A_339 = arith.addi %add3A_219, %add3A_338 : i32
        %add3A_340 = arith.addi %mul3A_2, %add3A_339 : i32
        %mul3A_341 = arith.constant 4 : i32
        %mul3A_342 = arith.muli %add3A_340, %mul3A_341 : i32
        "tpu.region"() ({
          %run_scoped3A = tpu.sem_alloc : memref<!tpu.dma_semaphore, #tpu.memory_space<semaphore_mem>>
          %dma_start3A_383 = arith.constant 0 : i32
          %dma_start3A_384 = tpu.memref_slice %arg2[%mul3A_342, %dma_start3A_383] : memref<6400x128xi32, #tpu.memory_space<hbm>> -> memref<4x128xi32, #tpu.memory_space<hbm>>
          %dma_start3A_385 = arith.constant 0 : i32
          %dma_start3A_386 = tpu.memref_slice %arg2[%mul3A_342, %dma_start3A_385] : memref<6400x128xi32, #tpu.memory_space<hbm>> -> memref<4x128xi32, #tpu.memory_space<hbm>>
          tpu.enqueue_dma source(%dma_start3A_386 : memref<4x128xi32, #tpu.memory_space<hbm>>) target(%arg5 : memref<4x128xi32, #tpu.memory_space<vmem>>) target_semaphore(%run_scoped3A : memref<!tpu.dma_semaphore, #tpu.memory_space<semaphore_mem>>)
          %dma_wait3A_387 = arith.constant 0 : i32
          %dma_wait3A_388 = tpu.memref_slice %arg2[%mul3A_342, %dma_wait3A_387] : memref<6400x128xi32, #tpu.memory_space<hbm>> -> memref<4x128xi32, #tpu.memory_space<hbm>>
          %dma_wait3A_389 = arith.constant 0 : i32
          %dma_wait3A_390 = tpu.memref_slice %arg2[%mul3A_342, %dma_wait3A_389] : memref<6400x128xi32, #tpu.memory_space<hbm>> -> memref<4x128xi32, #tpu.memory_space<hbm>>
          tpu.wait_dma2 semaphore(%run_scoped3A : memref<!tpu.dma_semaphore, #tpu.memory_space<semaphore_mem>>) src(%dma_wait3A_390 : memref<4x128xi32, #tpu.memory_space<hbm>>) dst(%arg5 : memref<4x128xi32, #tpu.memory_space<vmem>>)
          tpu.yield
        }) : () -> ()
        %dma_start3A_343 = arith.constant 0 : i32
        %dma_start3A_344 = arith.constant 0 : i32
        %dma_start3A_345 = arith.constant 0 : i32
        %dma_start3A_346 = tpu.memref_slice %arg7[%dma_start3A_344, %dma_start3A_345] : memref<512x32xf32, #tpu.memory_space<vmem>> -> memref<128x32xf32, #tpu.memory_space<vmem>>
        %dma_start3A_347 = arith.constant 0 : i32
        %dma_start3A_348 = tpu.memref_slice %arg5[%dma_start3A_343, %dma_start3A_347] : memref<4x128xi32, #tpu.memory_space<vmem>> -> memref<1x128xi32, #tpu.memory_space<vmem>>
        %dma_start3A_349 = tpu.memref_squeeze %dma_start3A_348 : memref<1x128xi32, #tpu.memory_space<vmem>> -> memref<128xi32, #tpu.memory_space<vmem>>
        %dma_start3A_350 = arith.constant 0 : i32
        %dma_start3A_351 = arith.constant 0 : i32
        %dma_start3A_352 = tpu.memref_slice %arg3[%dma_start3A_350, %dma_start3A_351] : memref<4000000x32xf32, #tpu.memory_space<hbm>> -> memref<4000000x32xf32, #tpu.memory_space<hbm>>
        tpu.enqueue_indirect_dma source(%dma_start3A_352 : memref<4000000x32xf32, #tpu.memory_space<hbm>>) target(%dma_start3A_346 : memref<128x32xf32, #tpu.memory_space<vmem>>) offsets(%dma_start3A_349 : memref<128xi32, #tpu.memory_space<vmem>>) semaphore(%arg11 : memref<!tpu.dma_semaphore, #tpu.memory_space<semaphore_mem>>)
        %dma_start3A_353 = arith.constant 1 : i32
        %dma_start3A_354 = arith.constant 128 : i32
        %dma_start3A_355 = arith.constant 0 : i32
        %dma_start3A_356 = tpu.memref_slice %arg7[%dma_start3A_354, %dma_start3A_355] : memref<512x32xf32, #tpu.memory_space<vmem>> -> memref<128x32xf32, #tpu.memory_space<vmem>>
        %dma_start3A_357 = arith.constant 0 : i32
        %dma_start3A_358 = tpu.memref_slice %arg5[%dma_start3A_353, %dma_start3A_357] : memref<4x128xi32, #tpu.memory_space<vmem>> -> memref<1x128xi32, #tpu.memory_space<vmem>>
        %dma_start3A_359 = tpu.memref_squeeze %dma_start3A_358 : memref<1x128xi32, #tpu.memory_space<vmem>> -> memref<128xi32, #tpu.memory_space<vmem>>
        %dma_start3A_360 = arith.constant 0 : i32
        %dma_start3A_361 = arith.constant 0 : i32
        %dma_start3A_362 = tpu.memref_slice %arg3[%dma_start3A_360, %dma_start3A_361] : memref<4000000x32xf32, #tpu.memory_space<hbm>> -> memref<4000000x32xf32, #tpu.memory_space<hbm>>
        tpu.enqueue_indirect_dma source(%dma_start3A_362 : memref<4000000x32xf32, #tpu.memory_space<hbm>>) target(%dma_start3A_356 : memref<128x32xf32, #tpu.memory_space<vmem>>) offsets(%dma_start3A_359 : memref<128xi32, #tpu.memory_space<vmem>>) semaphore(%arg11 : memref<!tpu.dma_semaphore, #tpu.memory_space<semaphore_mem>>)
        %dma_start3A_363 = arith.constant 2 : i32
        %dma_start3A_364 = arith.constant 256 : i32
        %dma_start3A_365 = arith.constant 0 : i32
        %dma_start3A_366 = tpu.memref_slice %arg7[%dma_start3A_364, %dma_start3A_365] : memref<512x32xf32, #tpu.memory_space<vmem>> -> memref<128x32xf32, #tpu.memory_space<vmem>>
        %dma_start3A_367 = arith.constant 0 : i32
        %dma_start3A_368 = tpu.memref_slice %arg5[%dma_start3A_363, %dma_start3A_367] : memref<4x128xi32, #tpu.memory_space<vmem>> -> memref<1x128xi32, #tpu.memory_space<vmem>>
        %dma_start3A_369 = tpu.memref_squeeze %dma_start3A_368 : memref<1x128xi32, #tpu.memory_space<vmem>> -> memref<128xi32, #tpu.memory_space<vmem>>
        %dma_start3A_370 = arith.constant 0 : i32
        %dma_start3A_371 = arith.constant 0 : i32
        %dma_start3A_372 = tpu.memref_slice %arg3[%dma_start3A_370, %dma_start3A_371] : memref<4000000x32xf32, #tpu.memory_space<hbm>> -> memref<4000000x32xf32, #tpu.memory_space<hbm>>
        tpu.enqueue_indirect_dma source(%dma_start3A_372 : memref<4000000x32xf32, #tpu.memory_space<hbm>>) target(%dma_start3A_366 : memref<128x32xf32, #tpu.memory_space<vmem>>) offsets(%dma_start3A_369 : memref<128xi32, #tpu.memory_space<vmem>>) semaphore(%arg11 : memref<!tpu.dma_semaphore, #tpu.memory_space<semaphore_mem>>)
        %dma_start3A_373 = arith.constant 3 : i32
        %dma_start3A_374 = arith.constant 384 : i32
        %dma_start3A_375 = arith.constant 0 : i32
        %dma_start3A_376 = tpu.memref_slice %arg7[%dma_start3A_374, %dma_start3A_375] : memref<512x32xf32, #tpu.memory_space<vmem>> -> memref<128x32xf32, #tpu.memory_space<vmem>>
        %dma_start3A_377 = arith.constant 0 : i32
        %dma_start3A_378 = tpu.memref_slice %arg5[%dma_start3A_373, %dma_start3A_377] : memref<4x128xi32, #tpu.memory_space<vmem>> -> memref<1x128xi32, #tpu.memory_space<vmem>>
        %dma_start3A_379 = tpu.memref_squeeze %dma_start3A_378 : memref<1x128xi32, #tpu.memory_space<vmem>> -> memref<128xi32, #tpu.memory_space<vmem>>
        %dma_start3A_380 = arith.constant 0 : i32
        %dma_start3A_381 = arith.constant 0 : i32
        %dma_start3A_382 = tpu.memref_slice %arg3[%dma_start3A_380, %dma_start3A_381] : memref<4000000x32xf32, #tpu.memory_space<hbm>> -> memref<4000000x32xf32, #tpu.memory_space<hbm>>
        tpu.enqueue_indirect_dma source(%dma_start3A_382 : memref<4000000x32xf32, #tpu.memory_space<hbm>>) target(%dma_start3A_376 : memref<128x32xf32, #tpu.memory_space<vmem>>) offsets(%dma_start3A_379 : memref<128xi32, #tpu.memory_space<vmem>>) semaphore(%arg11 : memref<!tpu.dma_semaphore, #tpu.memory_space<semaphore_mem>>)
      } else {
      }
      %add3A_227 = arith.addi %mul3A_2, %add3A_219 : i32
      %jit3A_228 = arith.constant 8 : i32
      %div3A_229 = arith.divsi %add3A_227, %jit3A_228 : i32
      %sign3A_230 = arith.constant 0 : i32
      %sign3A_231 = arith.cmpi sgt, %add3A_227, %sign3A_230 : i32
      %sign3A_232 = arith.extui %sign3A_231 : i1 to i32
      %sign3A_233 = arith.constant 0 : i32
      %sign3A_234 = arith.cmpi slt, %add3A_227, %sign3A_233 : i32
      %sign3A_235 = arith.extui %sign3A_234 : i1 to i32
      %sign3A_236 = arith.subi %sign3A_232, %sign3A_235 : i32
      %sign3A_237 = arith.constant 0 : i32
      %sign3A_238 = arith.cmpi sgt, %jit3A_228, %sign3A_237 : i32
      %sign3A_239 = arith.extui %sign3A_238 : i1 to i32
      %sign3A_240 = arith.constant 0 : i32
      %sign3A_241 = arith.cmpi slt, %jit3A_228, %sign3A_240 : i32
      %sign3A_242 = arith.extui %sign3A_241 : i1 to i32
      %sign3A_243 = arith.subi %sign3A_239, %sign3A_242 : i32
      %ne3A_244 = arith.cmpi ne, %sign3A_236, %sign3A_243 : i32
      %rem3A_245 = arith.remsi %add3A_227, %jit3A_228 : i32
      %ne3A_246 = arith.constant 0 : i32
      %ne3A_247 = arith.cmpi ne, %rem3A_245, %ne3A_246 : i32
      %and3A_248 = arith.andi %ne3A_244, %ne3A_247 : i1
      %sub3A_249 = arith.constant 1 : i32
      %sub3A_250 = arith.subi %div3A_229, %sub3A_249 : i32
      %select_n3A_251 = arith.select %and3A_248, %sub3A_250, %div3A_229 : i32
      %jit3A_252 = arith.constant 8 : i32
      %eq3A_253 = arith.constant 0 : i32
      %eq3A_254 = arith.cmpi eq, %jit3A_252, %eq3A_253 : i32
      %jit3A_255 = arith.constant 1 : i32
      %select_n3A_256 = arith.select %eq3A_254, %jit3A_255, %jit3A_252 : i32
      %rem3A_257 = arith.remsi %add3A_227, %select_n3A_256 : i32
      %ne3A_258 = arith.constant 0 : i32
      %ne3A_259 = arith.cmpi ne, %rem3A_257, %ne3A_258 : i32
      %lt3A_260 = arith.constant 0 : i32
      %lt3A_261 = arith.cmpi slt, %rem3A_257, %lt3A_260 : i32
      %lt3A_262 = arith.constant 0 : i32
      %lt3A_263 = arith.cmpi slt, %select_n3A_256, %lt3A_262 : i32
      %ne3A_264 = arith.xori %lt3A_261, %lt3A_263 : i1
      %and3A_265 = arith.andi %ne3A_264, %ne3A_259 : i1
      %add3A_266 = arith.addi %rem3A_257, %select_n3A_256 : i32
      %select_n3A_267 = arith.select %and3A_265, %add3A_266, %rem3A_257 : i32
      %mul3A_268 = arith.constant 4 : i32
      %mul3A_269 = arith.muli %select_n3A_267, %mul3A_268 : i32
      %dma_wait3A_270 = arith.constant 0 : i32
      %dma_wait3A_271 = arith.constant 0 : i32
      %dma_wait3A_272 = arith.constant 0 : i32
      %dma_wait3A_273 = tpu.memref_slice %arg8[%dma_wait3A_271, %dma_wait3A_272] : memref<512x32xf32, #tpu.memory_space<vmem>> -> memref<128x32xf32, #tpu.memory_space<vmem>>
      %dma_wait3A_274 = arith.constant 0 : i32
      %dma_wait3A_275 = tpu.memref_slice %arg6[%dma_wait3A_270, %dma_wait3A_274] : memref<4x128xi32, #tpu.memory_space<vmem>> -> memref<1x128xi32, #tpu.memory_space<vmem>>
      %dma_wait3A_276 = tpu.memref_squeeze %dma_wait3A_275 : memref<1x128xi32, #tpu.memory_space<vmem>> -> memref<128xi32, #tpu.memory_space<vmem>>
      %dma_wait3A_277 = arith.constant 0 : i32
      %dma_wait3A_278 = arith.constant 0 : i32
      %dma_wait3A_279 = tpu.memref_slice %arg3[%dma_wait3A_277, %dma_wait3A_278] : memref<4000000x32xf32, #tpu.memory_space<hbm>> -> memref<4000000x32xf32, #tpu.memory_space<hbm>>
      tpu.wait_indirect_dma semaphore(%arg12 : memref<!tpu.dma_semaphore, #tpu.memory_space<semaphore_mem>>) src(%dma_wait3A_279 : memref<4000000x32xf32, #tpu.memory_space<hbm>>) dst(%dma_wait3A_273 : memref<128x32xf32, #tpu.memory_space<vmem>>)
      %dma_wait3A_280 = arith.constant 1 : i32
      %dma_wait3A_281 = arith.constant 128 : i32
      %dma_wait3A_282 = arith.constant 0 : i32
      %dma_wait3A_283 = tpu.memref_slice %arg8[%dma_wait3A_281, %dma_wait3A_282] : memref<512x32xf32, #tpu.memory_space<vmem>> -> memref<128x32xf32, #tpu.memory_space<vmem>>
      %dma_wait3A_284 = arith.constant 0 : i32
      %dma_wait3A_285 = tpu.memref_slice %arg6[%dma_wait3A_280, %dma_wait3A_284] : memref<4x128xi32, #tpu.memory_space<vmem>> -> memref<1x128xi32, #tpu.memory_space<vmem>>
      %dma_wait3A_286 = tpu.memref_squeeze %dma_wait3A_285 : memref<1x128xi32, #tpu.memory_space<vmem>> -> memref<128xi32, #tpu.memory_space<vmem>>
      %dma_wait3A_287 = arith.constant 0 : i32
      %dma_wait3A_288 = arith.constant 0 : i32
      %dma_wait3A_289 = tpu.memref_slice %arg3[%dma_wait3A_287, %dma_wait3A_288] : memref<4000000x32xf32, #tpu.memory_space<hbm>> -> memref<4000000x32xf32, #tpu.memory_space<hbm>>
      tpu.wait_indirect_dma semaphore(%arg12 : memref<!tpu.dma_semaphore, #tpu.memory_space<semaphore_mem>>) src(%dma_wait3A_289 : memref<4000000x32xf32, #tpu.memory_space<hbm>>) dst(%dma_wait3A_283 : memref<128x32xf32, #tpu.memory_space<vmem>>)
      %dma_wait3A_290 = arith.constant 2 : i32
      %dma_wait3A_291 = arith.constant 256 : i32
      %dma_wait3A_292 = arith.constant 0 : i32
      %dma_wait3A_293 = tpu.memref_slice %arg8[%dma_wait3A_291, %dma_wait3A_292] : memref<512x32xf32, #tpu.memory_space<vmem>> -> memref<128x32xf32, #tpu.memory_space<vmem>>
      %dma_wait3A_294 = arith.constant 0 : i32
      %dma_wait3A_295 = tpu.memref_slice %arg6[%dma_wait3A_290, %dma_wait3A_294] : memref<4x128xi32, #tpu.memory_space<vmem>> -> memref<1x128xi32, #tpu.memory_space<vmem>>
      %dma_wait3A_296 = tpu.memref_squeeze %dma_wait3A_295 : memref<1x128xi32, #tpu.memory_space<vmem>> -> memref<128xi32, #tpu.memory_space<vmem>>
      %dma_wait3A_297 = arith.constant 0 : i32
      %dma_wait3A_298 = arith.constant 0 : i32
      %dma_wait3A_299 = tpu.memref_slice %arg3[%dma_wait3A_297, %dma_wait3A_298] : memref<4000000x32xf32, #tpu.memory_space<hbm>> -> memref<4000000x32xf32, #tpu.memory_space<hbm>>
      tpu.wait_indirect_dma semaphore(%arg12 : memref<!tpu.dma_semaphore, #tpu.memory_space<semaphore_mem>>) src(%dma_wait3A_299 : memref<4000000x32xf32, #tpu.memory_space<hbm>>) dst(%dma_wait3A_293 : memref<128x32xf32, #tpu.memory_space<vmem>>)
      %dma_wait3A_300 = arith.constant 3 : i32
      %dma_wait3A_301 = arith.constant 384 : i32
      %dma_wait3A_302 = arith.constant 0 : i32
      %dma_wait3A_303 = tpu.memref_slice %arg8[%dma_wait3A_301, %dma_wait3A_302] : memref<512x32xf32, #tpu.memory_space<vmem>> -> memref<128x32xf32, #tpu.memory_space<vmem>>
      %dma_wait3A_304 = arith.constant 0 : i32
      %dma_wait3A_305 = tpu.memref_slice %arg6[%dma_wait3A_300, %dma_wait3A_304] : memref<4x128xi32, #tpu.memory_space<vmem>> -> memref<1x128xi32, #tpu.memory_space<vmem>>
      %dma_wait3A_306 = tpu.memref_squeeze %dma_wait3A_305 : memref<1x128xi32, #tpu.memory_space<vmem>> -> memref<128xi32, #tpu.memory_space<vmem>>
      %dma_wait3A_307 = arith.constant 0 : i32
      %dma_wait3A_308 = arith.constant 0 : i32
      %dma_wait3A_309 = tpu.memref_slice %arg3[%dma_wait3A_307, %dma_wait3A_308] : memref<4000000x32xf32, #tpu.memory_space<hbm>> -> memref<4000000x32xf32, #tpu.memory_space<hbm>>
      tpu.wait_indirect_dma semaphore(%arg12 : memref<!tpu.dma_semaphore, #tpu.memory_space<semaphore_mem>>) src(%dma_wait3A_309 : memref<4000000x32xf32, #tpu.memory_space<hbm>>) dst(%dma_wait3A_303 : memref<128x32xf32, #tpu.memory_space<vmem>>)
      %ge3A_310 = arith.constant 2 : i32
      %ge3A_311 = arith.cmpi sge, %add3A_219, %ge3A_310 : i32
      %convert_element_type3A_312 = arith.extui %ge3A_311 : i1 to i32
      %cond3A_313 = arith.constant 0 : i32
      %cond3A_314 = arith.cmpi ne, %convert_element_type3A_312, %cond3A_313 : i32
      scf.if %cond3A_314 {
        %dma_wait3A_338 = arith.constant 0 : i32
        %dma_wait3A_339 = arith.constant 0 : i32
        %dma_wait3A_340 = arith.constant 0 : i32
        %dma_wait3A_341 = arith.constant 0 : i32
        %dma_wait3A_342 = tpu.memref_slice %arg10[%dma_wait3A_338, %dma_wait3A_339, %dma_wait3A_340, %dma_wait3A_341] : memref<4x4x8x129xf32, #tpu.memory_space<vmem>> -> memref<4x4x8x128xf32, #tpu.memory_space<vmem>>
        %dma_wait3A_343 = arith.constant 0 : i32
        %dma_wait3A_344 = arith.constant 0 : i32
        %dma_wait3A_345 = arith.constant 0 : i32
        %dma_wait3A_346 = tpu.memref_slice %arg4[%select_n3A_251, %dma_wait3A_343, %mul3A_269, %dma_wait3A_344, %dma_wait3A_345] : memref<200x4x32x8x128xf32, #tpu.memory_space<hbm>> -> memref<1x4x4x8x128xf32, #tpu.memory_space<hbm>>
        %dma_wait3A_347 = tpu.memref_squeeze %dma_wait3A_346 : memref<1x4x4x8x128xf32, #tpu.memory_space<hbm>> -> memref<4x4x8x128xf32, #tpu.memory_space<hbm>>
        %dma_wait3A_348 = arith.constant 0 : i32
        %dma_wait3A_349 = arith.constant 0 : i32
        %dma_wait3A_350 = arith.constant 0 : i32
        %dma_wait3A_351 = tpu.memref_slice %arg4[%select_n3A_251, %dma_wait3A_348, %mul3A_269, %dma_wait3A_349, %dma_wait3A_350] : memref<200x4x32x8x128xf32, #tpu.memory_space<hbm>> -> memref<1x4x4x8x128xf32, #tpu.memory_space<hbm>>
        %dma_wait3A_352 = tpu.memref_squeeze %dma_wait3A_351 : memref<1x4x4x8x128xf32, #tpu.memory_space<hbm>> -> memref<4x4x8x128xf32, #tpu.memory_space<hbm>>
        %dma_wait3A_353 = arith.constant 0 : i32
        %dma_wait3A_354 = arith.constant 0 : i32
        %dma_wait3A_355 = arith.constant 0 : i32
        %dma_wait3A_356 = arith.constant 0 : i32
        %dma_wait3A_357 = tpu.memref_slice %arg10[%dma_wait3A_353, %dma_wait3A_354, %dma_wait3A_355, %dma_wait3A_356] : memref<4x4x8x129xf32, #tpu.memory_space<vmem>> -> memref<4x4x8x128xf32, #tpu.memory_space<vmem>>
        tpu.wait_dma2 semaphore(%arg14 : memref<!tpu.dma_semaphore, #tpu.memory_space<semaphore_mem>>) src(%dma_wait3A_357 : memref<4x4x8x128xf32, #tpu.memory_space<vmem>>) dst(%dma_wait3A_352 : memref<4x4x8x128xf32, #tpu.memory_space<hbm>>)
      } else {
      }
      %parallel_loop3A_315 = arith.constant 0 : i32
      %parallel_loop3A_316 = arith.constant 512 : i32
      %parallel_loop3A_317 = arith.constant 1 : i32
      scf.for %parallel_loop3A_338 = %parallel_loop3A_315 to %parallel_loop3A_316 step %parallel_loop3A_317  : i32 {
        %parallel_loop3A_339 = arith.constant 7 : i32
        %parallel_loop3A_340 = arith.shrsi %parallel_loop3A_338, %parallel_loop3A_339 : i32
        %parallel_loop3A_341 = vector.broadcast %parallel_loop3A_340 : i32 to vector<16xi32>
        %parallel_loop3A_342 = arith.addi %broadcast_in_dim3A_3, %parallel_loop3A_341 : vector<16xi32>
        %parallel_loop3A_343 = arith.constant 127 : i32
        %parallel_loop3A_344 = arith.andi %parallel_loop3A_338, %parallel_loop3A_343 : i32
        %parallel_loop3A_345 = vector.broadcast %parallel_loop3A_344 : i32 to vector<16xi32>
        %parallel_loop3A_346 = arith.addi %broadcast_in_dim3A_3, %parallel_loop3A_345 : vector<16xi32>
        %parallel_loop3A_347 = arith.index_cast %parallel_loop3A_338 : i32 to index
        %parallel_loop3A_348 = arith.constant 0 : index
        %parallel_loop3A_349 = tpu.vector_load %arg8[%parallel_loop3A_347, %parallel_loop3A_348] {strides = array<i32>} : memref<512x32xf32, #tpu.memory_space<vmem>>, vector<16xf32>,
        %parallel_loop3A_350 = arith.index_cast %parallel_loop3A_338 : i32 to index
        %parallel_loop3A_351 = arith.constant 16 : index
        %parallel_loop3A_352 = tpu.vector_load %arg8[%parallel_loop3A_350, %parallel_loop3A_351] {strides = array<i32>} : memref<512x32xf32, #tpu.memory_space<vmem>>, vector<16xf32>,
        tpu.vector_store_idx %arg10[%shift_right_arithmetic3A_5, %parallel_loop3A_342, %and3A_13, %parallel_loop3A_346], %parallel_loop3A_349 : memref<4x4x8x129xf32, #tpu.memory_space<vmem>>[vector<16xi32>, vector<16xi32>, vector<16xi32>, vector<16xi32>], vector<16xf32>,
        tpu.vector_store_idx %arg10[%shift_right_arithmetic3A_11, %parallel_loop3A_342, %and3A_13, %parallel_loop3A_346], %parallel_loop3A_352 : memref<4x4x8x129xf32, #tpu.memory_space<vmem>>[vector<16xi32>, vector<16xi32>, vector<16xi32>, vector<16xi32>], vector<16xf32>,
      } {sc.loop_unroll_factor = 4 : i64, sc.parallel_access}
      %dma_start3A_318 = arith.constant 0 : i32
      %dma_start3A_319 = arith.constant 0 : i32
      %dma_start3A_320 = arith.constant 0 : i32
      %dma_start3A_321 = arith.constant 0 : i32
      %dma_start3A_322 = tpu.memref_slice %arg10[%dma_start3A_318, %dma_start3A_319, %dma_start3A_320, %dma_start3A_321] : memref<4x4x8x129xf32, #tpu.memory_space<vmem>> -> memref<4x4x8x128xf32, #tpu.memory_space<vmem>>
      %dma_start3A_323 = arith.constant 0 : i32
      %dma_start3A_324 = arith.constant 0 : i32
      %dma_start3A_325 = arith.constant 0 : i32
      %dma_start3A_326 = tpu.memref_slice %arg4[%select_n3A_251, %dma_start3A_323, %mul3A_269, %dma_start3A_324, %dma_start3A_325] : memref<200x4x32x8x128xf32, #tpu.memory_space<hbm>> -> memref<1x4x4x8x128xf32, #tpu.memory_space<hbm>>
      %dma_start3A_327 = tpu.memref_squeeze %dma_start3A_326 : memref<1x4x4x8x128xf32, #tpu.memory_space<hbm>> -> memref<4x4x8x128xf32, #tpu.memory_space<hbm>>
      %dma_start3A_328 = arith.constant 0 : i32
      %dma_start3A_329 = arith.constant 0 : i32
      %dma_start3A_330 = arith.constant 0 : i32
      %dma_start3A_331 = tpu.memref_slice %arg4[%select_n3A_251, %dma_start3A_328, %mul3A_269, %dma_start3A_329, %dma_start3A_330] : memref<200x4x32x8x128xf32, #tpu.memory_space<hbm>> -> memref<1x4x4x8x128xf32, #tpu.memory_space<hbm>>
      %dma_start3A_332 = tpu.memref_squeeze %dma_start3A_331 : memref<1x4x4x8x128xf32, #tpu.memory_space<hbm>> -> memref<4x4x8x128xf32, #tpu.memory_space<hbm>>
      %dma_start3A_333 = arith.constant 0 : i32
      %dma_start3A_334 = arith.constant 0 : i32
      %dma_start3A_335 = arith.constant 0 : i32
      %dma_start3A_336 = arith.constant 0 : i32
      %dma_start3A_337 = tpu.memref_slice %arg10[%dma_start3A_333, %dma_start3A_334, %dma_start3A_335, %dma_start3A_336] : memref<4x4x8x129xf32, #tpu.memory_space<vmem>> -> memref<4x4x8x128xf32, #tpu.memory_space<vmem>>
      tpu.enqueue_dma source(%dma_start3A_337 : memref<4x4x8x128xf32, #tpu.memory_space<vmem>>) target(%dma_start3A_332 : memref<4x4x8x128xf32, #tpu.memory_space<hbm>>) target_semaphore(%arg14 : memref<!tpu.dma_semaphore, #tpu.memory_space<semaphore_mem>>)
    }
    %scan3A_60 = arith.constant 25 : i32
    %dma_wait3A = arith.constant 0 : i32
    %dma_wait3A_61 = arith.constant 0 : i32
    %dma_wait3A_62 = arith.constant 0 : i32
    %dma_wait3A_63 = arith.constant 0 : i32
    %dma_wait3A_64 = arith.constant 0 : i32
    %dma_wait3A_65 = tpu.memref_slice %arg9[%dma_wait3A_61, %dma_wait3A_62, %dma_wait3A_63, %dma_wait3A_64] : memref<4x4x8x129xf32, #tpu.memory_space<vmem>> -> memref<4x4x8x128xf32, #tpu.memory_space<vmem>>
    %dma_wait3A_66 = arith.constant 0 : i32
    %dma_wait3A_67 = arith.constant 0 : i32
    %dma_wait3A_68 = arith.constant 0 : i32
    %dma_wait3A_69 = arith.constant 0 : i32
    %dma_wait3A_70 = tpu.memref_slice %arg4[%dma_wait3A, %dma_wait3A_66, %dma_wait3A_67, %dma_wait3A_68, %dma_wait3A_69] : memref<200x4x32x8x128xf32, #tpu.memory_space<hbm>> -> memref<1x4x4x8x128xf32, #tpu.memory_space<hbm>>
    %dma_wait3A_71 = tpu.memref_squeeze %dma_wait3A_70 : memref<1x4x4x8x128xf32, #tpu.memory_space<hbm>> -> memref<4x4x8x128xf32, #tpu.memory_space<hbm>>
    %dma_wait3A_72 = arith.constant 0 : i32
    %dma_wait3A_73 = arith.constant 0 : i32
    %dma_wait3A_74 = arith.constant 0 : i32
    %dma_wait3A_75 = arith.constant 0 : i32
    %dma_wait3A_76 = tpu.memref_slice %arg4[%dma_wait3A, %dma_wait3A_72, %dma_wait3A_73, %dma_wait3A_74, %dma_wait3A_75] : memref<200x4x32x8x128xf32, #tpu.memory_space<hbm>> -> memref<1x4x4x8x128xf32, #tpu.memory_space<hbm>>
    %dma_wait3A_77 = tpu.memref_squeeze %dma_wait3A_76 : memref<1x4x4x8x128xf32, #tpu.memory_space<hbm>> -> memref<4x4x8x128xf32, #tpu.memory_space<hbm>>
    %dma_wait3A_78 = arith.constant 0 : i32
    %dma_wait3A_79 = arith.constant 0 : i32
    %dma_wait3A_80 = arith.constant 0 : i32
    %dma_wait3A_81 = arith.constant 0 : i32
    %dma_wait3A_82 = tpu.memref_slice %arg9[%dma_wait3A_78, %dma_wait3A_79, %dma_wait3A_80, %dma_wait3A_81] : memref<4x4x8x129xf32, #tpu.memory_space<vmem>> -> memref<4x4x8x128xf32, #tpu.memory_space<vmem>>
    tpu.wait_dma2 semaphore(%arg13 : memref<!tpu.dma_semaphore, #tpu.memory_space<semaphore_mem>>) src(%dma_wait3A_82 : memref<4x4x8x128xf32, #tpu.memory_space<vmem>>) dst(%dma_wait3A_77 : memref<4x4x8x128xf32, #tpu.memory_space<hbm>>)
    %dma_wait3A_83 = arith.constant 0 : i32
    %dma_wait3A_84 = arith.constant 0 : i32
    %dma_wait3A_85 = arith.constant 0 : i32
    %dma_wait3A_86 = arith.constant 0 : i32
    %dma_wait3A_87 = arith.constant 0 : i32
    %dma_wait3A_88 = tpu.memref_slice %arg10[%dma_wait3A_84, %dma_wait3A_85, %dma_wait3A_86, %dma_wait3A_87] : memref<4x4x8x129xf32, #tpu.memory_space<vmem>> -> memref<4x4x8x128xf32, #tpu.memory_space<vmem>>
    %dma_wait3A_89 = arith.constant 0 : i32
    %dma_wait3A_90 = arith.constant 0 : i32
    %dma_wait3A_91 = arith.constant 0 : i32
    %dma_wait3A_92 = arith.constant 0 : i32
    %dma_wait3A_93 = tpu.memref_slice %arg4[%dma_wait3A_83, %dma_wait3A_89, %dma_wait3A_90, %dma_wait3A_91, %dma_wait3A_92] : memref<200x4x32x8x128xf32, #tpu.memory_space<hbm>> -> memref<1x4x4x8x128xf32, #tpu.memory_space<hbm>>
    %dma_wait3A_94 = tpu.memref_squeeze %dma_wait3A_93 : memref<1x4x4x8x128xf32, #tpu.memory_space<hbm>> -> memref<4x4x8x128xf32, #tpu.memory_space<hbm>>
    %dma_wait3A_95 = arith.constant 0 : i32
    %dma_wait3A_96 = arith.constant 0 : i32
    %dma_wait3A_97 = arith.constant 0 : i32
    %dma_wait3A_98 = arith.constant 0 : i32
    %dma_wait3A_99 = tpu.memref_slice %arg4[%dma_wait3A_83, %dma_wait3A_95, %dma_wait3A_96, %dma_wait3A_97, %dma_wait3A_98] : memref<200x4x32x8x128xf32, #tpu.memory_space<hbm>> -> memref<1x4x4x8x128xf32, #tpu.memory_space<hbm>>
    %dma_wait3A_100 = tpu.memref_squeeze %dma_wait3A_99 : memref<1x4x4x8x128xf32, #tpu.memory_space<hbm>> -> memref<4x4x8x128xf32, #tpu.memory_space<hbm>>
    %dma_wait3A_101 = arith.constant 0 : i32
    %dma_wait3A_102 = arith.constant 0 : i32
    %dma_wait3A_103 = arith.constant 0 : i32
    %dma_wait3A_104 = arith.constant 0 : i32
    %dma_wait3A_105 = tpu.memref_slice %arg10[%dma_wait3A_101, %dma_wait3A_102, %dma_wait3A_103, %dma_wait3A_104] : memref<4x4x8x129xf32, #tpu.memory_space<vmem>> -> memref<4x4x8x128xf32, #tpu.memory_space<vmem>>
    tpu.wait_dma2 semaphore(%arg14 : memref<!tpu.dma_semaphore, #tpu.memory_space<semaphore_mem>>) src(%dma_wait3A_105 : memref<4x4x8x128xf32, #tpu.memory_space<vmem>>) dst(%dma_wait3A_100 : memref<4x4x8x128xf32, #tpu.memory_space<hbm>>)
    return
  }
}

module attributes {stable_mosaic.version = 14 : i64} {
  func.func @_w_prep_body(%arg0: i32, %arg1: memref<32x2048xf32, #tpu.memory_space<vmem>>, %arg2: memref<2048x128xf32, #tpu.memory_space<vmem>>) attributes {dimension_semantics = [#tpu.dimension_semantics<arbitrary>], iteration_bounds = array<i64: 489>, scalar_prefetch = 0 : i64, scratch_operands = 0 : i64, tpu.core_type = #tpu.core_type<tc>, window_params = [{transform_indices = @transform_0, window_bounds = array<i64: 32, 2048>}, {transform_indices = @transform_1, window_bounds = array<i64: 2048, 128>}]} {
    %get3A = arith.constant 0 : index
    %get3A_0 = arith.constant 0 : index
    %get3A_1 = vector.load %arg1[%get3A, %get3A_0] : memref<32x2048xf32, #tpu.memory_space<vmem>>, vector<32x2048xf32>
    %transpose3A = tpu.transpose %get3A_1, [1, 0] : vector<32x2048xf32> -> vector<2048x32xf32>
    %mul3A = arith.constant 5.65685415 : f32
    %mul3A_2 = vector.broadcast %mul3A : f32 to vector<2048x32xf32>
    %mul3A_3 = arith.mulf %transpose3A, %mul3A_2 : vector<2048x32xf32>
    %swap3A = arith.constant 0 : index
    %swap3A_4 = arith.constant 0 : index
    %swap3A_5 = vector.load %arg2[%swap3A, %swap3A_4] : memref<2048x128xf32, #tpu.memory_space<vmem>>, vector<2048x32xf32>
    tpu.vector_store %arg2[%swap3A, %swap3A_4], %mul3A_3 {strides = array<i32>} : memref<2048x128xf32, #tpu.memory_space<vmem>>, vector<2048x32xf32>,
    return
  }
  func.func @transform_0(%arg0: i32) -> (i32, i32) {
    %c0_i32 = arith.constant 0 : i32
    %c0_i32_0 = arith.constant 0 : i32
    return %c0_i32, %arg0 : i32, i32
  }
  func.func @transform_1(%arg0: i32) -> (i32, i32) {
    %c0_i32 = arith.constant 0 : i32
    %c0_i32_0 = arith.constant 0 : i32
    return %arg0, %c0_i32 : i32, i32
  }
}

</mosaic_0001>

<sc_bundles>
// kernel: kernel.4.cloned.1.call-start
scs
__scs_entry_jumppad:
0x0: {  	(pc) =	sbr.rel $0x88, $3  }
0x1: {  	(tag) =	ssettag $0x0;
	lr =	simm.s32 $0x1  }
0x2: {  	[smem:$0x3F9F] =	sst lr;
	_ =	strace $0xD0000000  }
0x3: {  	_ = 	snop  }
0x4: {  	_ = 	snop  }
0x5: {  	_ = 	snop  }
0x6: {  	_ = 	snop  }
0x7: {  	_ = 	snop  }
__scs_overlays_trampoline_lowered:
0x8: {  	[smem:$0x3FAE] =	sst s0  }
0x9: {  	[smem:$0x3FAF] =	sst s1  }
0xa: {  	[smem:$0x3FB0] =	sst s2  }
0xb: {  	[smem:$0x3FB1] =	sst s3  }
0xc: {  	[smem:$0x3FB2] =	sst s4  }
0xd: {  	[smem:$0x3FB3] =	sst s5  }
0xe: {  	[smem:$0x3FB4] =	sst s6  }
0xf: {  	[smem:$0x3FB5] =	sst s7  }
0x10: {  	[smem:$0x3FB6] =	sst s8  }
0x11: {  	[smem:$0x3FB7] =	sst s9;
	s0 =	simm.s32 @!p0 $0x0  }
0x12: {  	s1 =	sld [smem:$0x3F9D];
	s0 =	simm.s32 @p0 $0x1  }
0x13: {  	[smem:$0x3FB8] =	sst s0;
	s0 =	simm.s32 @!p1 $0x0  }
0x14: {  	s2 =	sld [smem:$0x3F9C];
	s0 =	simm.s32 @p1 $0x1  }
0x15: {  	[smem:$0x3FB9] =	sst s0;
	s0 =	simm.s32 @!p2 $0x0  }
0x16: {  	s3 =	sld [smem:$0x3FDB];
	s0 =	simm.s32 @p2 $0x1  }
0x17: {  	s4 =	simm.s32 $0x1BF5;
	[smem:$0x3FBB] =	sst s0  }
0x18: {  	s0 =	sld [smem:$0x3F9E];
	_ =	swait.ge [sflag:s4], $0x0  }
0x19: {  	s7 =	sld [smem:$0x3F9F]  }
0x1a: {  	s8 =	sadd.s32 $0xFFFFE003, lr  }
0x1b: {  	s9 =	sadd.s32 $0xFFFFFEF7, lr;
	s5 =	simm.s32 $0xFFFFFFFF;
	p2 =	slt.u32 s8, $0xFFFFF086  }
0x1c: {  	p1 =	slt.u32 s9, $0xF7A;
	s5 =	simm.s32 @!p2 $0x0  }
0x1d: {  	s5 =	simm.s32 @p1 $0x1;
	p0 =	seq.s32 s7, s2  }
0x1e: {  	s7 =	smul.u32 @!p0 $0xF7A, s2;
	p2 =	seq.s32 @!p0 s5, $0x0  }
0x1f: {  	s9 =	smul.u32 $0xF7A, s1;
	s8 =	simm.s32 @!p0 $0x1BF5;
	p2 =	por !p2, p0  }
0x20: {  	[sflag:s8] =	ssyncset.s32 @!p0 $0xFFFFF086;
	s6 =	sadd.s32 @!p0 s3, s7;
	s7 =	simm.s32 @!p0 $0x108  }
0x21: {  	s3 =	sadd.s32 s3, s9;
	s6 =	sadd.s32 @!p0 $0x88, s6;
	s7 =	simm.s32 @p2 $0x1082  }
0x22: {  	[simem:s7], [sflag:s8] =	dma.local @!p0 [hbm:s6], $0xF7A  }
0x23: {  	s9 =	sor.u32 $0xD0000000, s2;
	s6 =	simm.s32 $0x108;
	_ =	swait.ge @!p0 [sflag:s8], $0x0  }
0x24: {  	s3 =	sadd.s32 $0x88, s3;
	s6 =	simm.s32 @!p1 $0x1082;
	[sflag:s4] =	ssyncset.s32 $0xFFFFF086  }
0x25: {  	[simem:s6], [sflag:s4] =	dma.local [hbm:s3], $0xF7A  }
0x26: {  	[smem:$0x3F9F] =	sst s1;
	(tag) =	ssettag s2;
	_ =	strace s9  }
0x27: {  	s1 =	sld [smem:$0x3FAF]  }
0x28: {  	s2 =	sld [smem:$0x3FB0]  }
0x29: {  	s4 =	sld [smem:$0x3FB2]  }
0x2a: {  	p0 =	seq.s32 s5, $0x0;
	s5 =	sld [smem:$0x3FB3]  }
0x2b: {  	s6 =	sld [smem:$0x3FB4]  }
0x2c: {  	s7 =	sld [smem:$0x3FB5]  }
0x2d: {  	s3 =	simm.s32 $0x108;
	s8 =	sld [smem:$0x3FB6]  }
0x2e: {  	s3 =	simm.s32 @!p0 $0x1082;
	s9 =	sld [smem:$0x3FB7]  }
0x2f: {  	lr =	sadd.s32 s0, s3;
	s0 =	sld [smem:$0x3FAE]  }
0x30: {  	s3 =	sld [smem:$0x3FB1]  }
0x31: {  	[smem:$0x3FBA] =	sst s10  }
0x32: {  	s10 =	sld [smem:$0x3FB8];
	_ =	sdelay $0x3  }
0x33: {  	p0 =	seq.s32 s10, $0x1;
	s10 =	sld [smem:$0x3FBA];
	_ =	sdelay $0x3  }
0x34: {  	[smem:$0x3FBA] =	sst s10  }
0x35: {  	s10 =	sld [smem:$0x3FB9];
	_ =	sdelay $0x3  }
0x36: {  	p1 =	seq.s32 s10, $0x1;
	s10 =	sld [smem:$0x3FBA];
	_ =	sdelay $0x3  }
0x37: {  	[smem:$0x3FBA] =	sst s10  }
0x38: {  	s10 =	sld [smem:$0x3FBB]  }
0x39: {  	_ = 	snop;
	(pc) =	sbr.ind lr, $3  }
0x3a: {  	_ = 	snop  }
0x3b: {  	_ = 	snop  }
0x3c: {  	p2 =	seq.s32 s10, $0x1;
	s10 =	sld [smem:$0x3FBA]  }
0x3d: {  	_ =	shalt  }
0x3e: {  	_ =	shalt  }
0x3f: {  	_ =	shalt  }
0x40: {  	_ =	shalt  }
0x41: {  	_ =	shalt  }
0x42: {  	_ =	shalt  }
0x43: {  	_ =	shalt  }
0x44: {  	_ =	shalt  }
0x45: {  	_ =	shalt  }
0x46: {  	_ =	shalt  }
0x47: {  	_ =	shalt  }
0x48: {  	_ =	shalt  }
0x49: {  	_ =	shalt  }
0x4a: {  	_ =	shalt  }
0x4b: {  	_ =	shalt  }
0x4c: {  	_ =	shalt  }
0x4d: {  	_ =	shalt  }
0x4e: {  	_ =	shalt  }
0x4f: {  	_ =	shalt  }
0x50: {  	_ =	shalt  }
0x51: {  	_ =	shalt  }
0x52: {  	_ =	shalt  }
0x53: {  	_ =	shalt  }
0x54: {  	_ =	shalt  }
0x55: {  	_ =	shalt  }
0x56: {  	_ =	shalt  }
0x57: {  	_ =	shalt  }
0x58: {  	_ =	shalt  }
0x59: {  	_ =	shalt  }
0x5a: {  	_ =	shalt  }
0x5b: {  	_ =	shalt  }
0x5c: {  	_ =	shalt  }
0x5d: {  	_ =	shalt  }
0x5e: {  	_ =	shalt  }
0x5f: {  	_ =	shalt  }
0x60: {  	_ =	shalt  }
0x61: {  	_ =	shalt  }
0x62: {  	_ =	shalt  }
0x63: {  	_ =	shalt  }
0x64: {  	_ =	shalt  }
0x65: {  	_ =	shalt  }
0x66: {  	_ =	shalt  }
0x67: {  	_ =	shalt  }
0x68: {  	_ =	shalt  }
0x69: {  	_ =	shalt  }
0x6a: {  	_ =	shalt  }
0x6b: {  	_ =	shalt  }
0x6c: {  	_ =	shalt  }
0x6d: {  	_ =	shalt  }
0x6e: {  	_ =	shalt  }
0x6f: {  	_ =	shalt  }
0x70: {  	_ =	shalt  }
0x71: {  	_ =	shalt  }
0x72: {  	_ =	shalt  }
0x73: {  	_ =	shalt  }
0x74: {  	_ =	shalt  }
0x75: {  	_ =	shalt  }
0x76: {  	_ =	shalt  }
0x77: {  	_ =	shalt  }
0x78: {  	_ =	shalt  }
0x79: {  	_ =	shalt  }
0x7a: {  	_ =	shalt  }
0x7b: {  	_ =	shalt  }
0x7c: {  	_ =	shalt  }
0x7d: {  	_ =	shalt  }
0x7e: {  	_ =	shalt  }
0x7f: {  	_ =	shalt  }
0x80: {  	_ =	shalt  }
0x81: {  	_ =	shalt  }
0x82: {  	_ =	shalt  }
0x83: {  	_ =	shalt  }
0x84: {  	_ =	shalt  }
0x85: {  	_ =	shalt  }
0x86: {  	_ =	shalt  }
0x87: {  	_ =	shalt  }
.Lfunc_end0:
.L_simem_size_0:
called_computation_lowered:
.L_overlay_start_0:
0x88: {  	s2 =	sld [smem:$0x3FD9]  }
0x89: {  	s3 =	sld [smem:$0x3FFE];
	_ =	sdelay $0x1  }
0x8a: {  	s1 =	srdreg.scid  }
0x8b: {  	s0 =	sand.u32 $0x1, s1  }
0x8c: {  	s17 =	sshll.u32 s0, $0xA;
	s2 =	sadd.s32 s3, s2  }
0x8d: {  	s2 =	sadd.s32 s2, s17  }
0x8e: {  	[smem:$0x3FC6] =	sst s2  }
0x8f: {  	_ = 	snop  }
0x90: {  	s2 =	sld [smem:$0x3FD0];
	(tm) =	ssettm $0x1  }
0x91: {  	s18 =	sld [smem:$0x3FFB];
	_ =	sdelay $0x3  }
0x92: {  	_ =	strace s18  }
0x93: {  	s3 =	sld [smem:$0x3FFC];
	_ =	sdelay $0x3  }
0x94: {  	_ =	strace s3  }
0x95: {  	s3 =	sld [smem:$0x3FFD];
	_ =	sdelay $0x3  }
0x96: {  	_ =	strace s3  }
0x97: {  	_ =	strace $0x8FFFFFFF  }
0x98: {  	s19 =	sld [smem:$0x3FDB];
	_ =	sdelay $0x1  }
0x99: {  	s4 =	simm.s32 $_scs_section_size  }
0x9a: {  	s5 =	simm.s32 $_size__tile_overlayer_lowered;
	s6 =	simm.s32 $_tile_overlayer_lowered  }
0x9b: {  	s22 =	simm.s32 $0x1BFF;
	s21 =	sshll.u32 s6, $0x1;
	s3 =	sadd.s32 s4, s19  }
0x9c: {  	s7 =	simm.s32 $0x0;
	s20 =	sshll.u32 s5, $0x1;
	s5 =	sadd.s32 s21, s3  }
0x9d: {  	[timem:s7], [sflag:s22] =	dma.local [hbm:s5], s20  }
0x9e: {  	_ =	swait.ge [sflag:s22], s20  }
0x9f: {  	s4 =	ssub.s32 $0x0, s20;
	[sflag:s22] =	ssyncset.done $0x0  }
0xa0: {  	[sflag:s22] =	ssyncadd.s32 s4;
	_ =	sdelay $0x1  }
0xa1: {  	s23 =	simm.s32 $0x1B8B  }
0xa2: {  	_ =	swait.ge [sflag:s23], $0x1  }
0xa3: {  	[sflag:s23] =	ssyncset.done $0x0  }
0xa4: {  	s25 =	simm.s32 $0x1B8E;
	s24 =	sld [smem:$0x3FFE];
	[sflag:s23] =	ssyncadd.s32 $0xFFFFFFFF  }
0xa5: {  	s26 =	simm.s32 $execute0_lowered;
	[smem:$0x3FD2] =	sst s25  }
0xa6: {  	s5 =	sshll.u32 s26, $0x1;
	_ =	strace $0x80000046;
	[dreg:$0x1] =	wrdreg $0xFFFFFFFF  }
0xa7: {  	s28 =	simm.s32 $_size_execute0_lowered;
	s3 =	sadd.s32 s3, s5;
	[dreg:$0x0] =	wrdreg $0x0  }
0xa8: {  	s5 =	sshll.u32 s28, $0x1;
	[dreg:$0x2] =	wrdreg s3  }
0xa9: {  	[dreg:$0x3] =	wrdreg s5  }
0xaa: {  	[dreg:$0x4] =	wrdreg $0xC0  }
0xab: {  	_ =	task [dreg:s7], $0x5FFFF  }
0xac: {  	[dreg:$0x1] =	wrdreg $0xFFFFFFFF  }
0xad: {  	[dreg:$0x0] =	wrdreg $0x60  }
0xae: {  	[dreg:$0x2] =	wrdreg s24  }
0xaf: {  	[dreg:$0x3] =	wrdreg s2  }
0xb0: {  	[dreg:$0x4] =	wrdreg $0x9  }
0xb1: {  	_ =	task.clear_ibuf [dreg:s7], $0x5FFFF;
	_ =	strace $0x90000046  }
0xb2: {  	s29 =	simm.s32 $0x9;
	_ =	strace $0x80000048  }
0xb3: {  	_ =	swait.ge [sflag:s29], $0x1  }
0xb4: {  	[sflag:s29] =	ssyncadd.s32 $0xFFFFFFFF  }
0xb5: {  	_ =	strace $0x90000048  }
0xb6: {  	_ =	sfence  }
0xb7: {  	s30 =	sld [smem:$0x0];
	_ =	sdelay $0x2  }
0xb8: {  	s31 =	sshll.u32 s1, $0xD;
	s1 =	sshrl.u32 s1, $0x2  }
0xb9: {  	s3 =	sand.u32 $0x4000, s31;
	s1 =	sadd.s32 s1, s30  }
0xba: {  	s0 =	sor.u32 s3, s0;
	s1 =	sshll.u32 s1, $0x11  }
0xbb: {  	s0 =	sor.u32 s1, s0  }
0xbc: {  	s0 =	sadd.s32 $0x8F2B, s0  }
0xbd: {  	[sflag:s0] =	ssyncadd.remote.s32 $0x1  }
0xbe: {  	_ =	sfence.sel $0xFFFF  }
0xbf: {  	[dreg:$0x0] =	wrdreg $0xFFFFFFFF;
	(pc) =	sbr.abs _section_cstart, $3  }
0xc0: {  	[dreg:$0x1] =	wrdreg $0xFFFFFFFF  }
0xc1: {  	_ =	task.clear_ibuf [dreg:s7], $0x2FFFF;
	_ =	strace $0x9FFFFFFF  }
0xc2: {  	(tm) =	ssettm $0x7FFFFFFF  }
0xc3: {  	_ =	shalt  }
tec
execute0_lowered:
.L_overlay_start_1:
0x0: {  	(tag) =	ssettag $0x1  }
0x1: {  	v0 =	vimm.s32 $0x14B8;
	vm0 =	vcmask $0x300;
	v1 =	vimm.s32 $0x36B8  }
0x2: {  	vm1 =	vcmask $0x704;
	v0 =	vsel vm0, $0x0, v0;
	v1 =	vsel vm0, $0x2200, v1  }
0x3: {  	vm15 =	vcmask $0xB08;
	v0 =	vsel vm1, $0x88, v0;
	v1 =	vsel vm1, $0x2288, v1  }
0x4: {  	s0 =	rddreg [dreg:$0x0];
	vm4 =	vcmask $0xF0C;
	v0 =	vsel vm15, $0x110, v0;
	v1 =	vsel vm15, $0x2310, v1  }
0x5: {  	s1 =	srdreg.scid;
	s3 =	stileid.u32;
	vm5 =	vcmask $0x1310;
	v0 =	vsel vm4, $0x198, v0;
	v1 =	vsel vm4, $0x2398, v1  }
0x6: {  	s2 =	rddreg [dreg:$0x1];
	vm6 =	vcmask $0x1714;
	s10 =	simm.s32 $0x5;
	s11 =	simm.s32 $0x80;
	v0 =	vsel vm5, $0x220, v0;
	v1 =	vsel vm5, $0x2420, v1  }
0x7: {  	vm7 =	vcmask $0x1B18;
	s18 =	simm.s32 $0x200;
	s20 =	simm.s32 $0x280;
	s21 =	simm.s32 $0x5400;
	v0 =	vsel vm6, $0x2A8, v0;
	v1 =	vsel vm6, $0x24A8, v1  }
0x8: {  	vm8 =	vcmask $0x1F1C;
	s22 =	simm.s32 $0x300;
	s23 =	simm.s32 $0x6400;
	s24 =	simm.s32 $0x380;
	v0 =	vsel vm7, $0x330, v0;
	v1 =	vsel vm7, $0x2530, v1  }
0x9: {  	vm9 =	vcmask $0x2320;
	s25 =	simm.s32 $0x7400;
	s28 =	simm.s32 $0x8400;
	s29 =	simm.s32 $0x2;
	v0 =	vsel vm8, $0x3B8, v0;
	v1 =	vsel vm8, $0x25B8, v1  }
0xa: {  	vm10 =	vcmask $0x2724;
	s30 =	simm.s32 $0xC800;
	s1 =	sand.u32 $0x1, s1;
	s4 =	sshll.u32 s3, $0x1;
	v0 =	vsel vm9, $0x1100, v0;
	v1 =	vsel vm9, $0x3300, v1  }
0xb: {  	vm11 =	vcmask $0x2B28;
	s3 =	simm.s32 $0x0;
	s6 =	sadd.s32 $0x19400, s0;
	s5 =	sor.u32 s1, s4;
	v0 =	vsel vm10, $0x1188, v0;
	v1 =	vsel vm10, $0x3388, v1  }
0xc: {  	vm12 =	vcmask $0x2F2C;
	[smem:$0x7FF] =	sst s3;
	s1 =	ssub.s32 $0x2, s1;
	s7 =	smul.u32 $0xC80, s5;
	v0 =	vsel vm11, $0x1210, v0;
	v1 =	vsel vm11, $0x3410, v1  }
0xd: {  	vm13 =	vcmask $0x3330;
	s4 =	smul.u32 $0x32, s5;
	s5 =	sadd.s32 $0x400, s0;
	s26 =	sshrl.u32 s1, $0x1;
	v0 =	vsel vm12, $0x1298, v0;
	v1 =	vsel vm12, $0x3498, v1  }
0xe: {  	vm14 =	vcmask $0x3734;
	_ =	strace $0x80000047;
	s0 =	ssub.s32 s1, s26;
	s31 =	sadd.s32 s5, s7;
	v0 =	vsel vm13, $0x1320, v0;
	v1 =	vsel vm13, $0x3520, v1  }
0xf: {  	vm15 =	vcmask $0x3B38;
	s26 =	simm.s32 $0x1;
	s0 =	smax.u32 s0, $0x1;
	[dreg:$0x3] =	wrdreg s31;
	v0 =	vsel vm14, $0x13A8, v0;
	v1 =	vsel vm14, $0x35A8, v1  }
0x10: {  	s8 =	sadd.s32 $0x2, s4;
	s7 =	simm.s32 $0x0;
	[dreg:$0x4] =	wrdreg s0;
	v0 =	vsel vm15, $0x1430, v0;
	v1 =	vsel vm15, $0x3630, v1  }
.LBB2_1:
0x11: {  	[dreg:$0x5] =	wrdreg s7  }
0x12: {  	s0 =	rddreg [dreg:$0x3]  }
0x13: {  	[tilespmem:s3], [sflag:$0x5] =	stream.linear.gather [hbm4b:s0+s3], $0x200, $0x38;
	[tilespmem:$0x10C00] =	vst v63  }
0x14: {  	_ =	swait.ge [sflag:s10], $0x200  }
0x15: {  	[sflag:s10] =	ssyncset.done $0x0  }
0x16: {  	s15 =	simm.s32 $0x400;
	[sflag:s10] =	ssyncadd.s32 $0xFFFFFE00  }
0x17: {  	[tilespmem:s15], [sflag:$0x1] =	stream.indirect.gather [hbm4b:s6+s11], $0x20, s3, s11, $0xb8;
	[tilespmem:$0x10C00] =	vst v63  }
0x18: {  	s16 =	simm.s32 $0x1400  }
0x19: {  	[tilespmem:s16], [sflag:$0x1] =	stream.indirect.gather [hbm4b:s6+s11], $0x20, s11, s11, $0xb8;
	[tilespmem:$0x10C00] =	vst v63  }
0x1a: {  	s17 =	simm.s32 $0x100;
	s1 =	simm.s32 $0x2400  }
0x1b: {  	[tilespmem:s1], [sflag:$0x1] =	stream.indirect.gather [hbm4b:s6+s11], $0x20, s17, s11, $0xb8;
	[tilespmem:$0x10C00] =	vst v63  }
0x1c: {  	s19 =	simm.s32 $0x180;
	s31 =	simm.s32 $0x3400;
	s12 =	simm.s32 $0x0  }
0x1d: {  	[tilespmem:s31], [sflag:$0x1] =	stream.indirect.gather [hbm4b:s6+s11], $0x20, s19, s11, $0xb8;
	[tilespmem:$0x10C00] =	vst v63  }
.LBB2_2:
0x1e: {  	s14 =	sshll.u32 s12, $0x1  }
0x1f: {  	s15 =	sadd.s32 s4, s14  }
0x20: {  	s13 =	sadd.s32 $0x1, s15  }
0x21: {  	s7 =	sshll.u32 s13, $0x6  }
0x22: {  	s7 =	sand.u32 $0x1FFFFFC0, s7  }
0x23: {  	s7 =	sadd.s32 s5, s7  }
0x24: {  	[tilespmem:s18], [sflag:$0x5] =	stream.linear.gather [hbm4b:s7+s3], $0x200, $0x38;
	[tilespmem:$0x10C00] =	vst v63  }
0x25: {  	_ =	swait.ge [sflag:s10], $0x200  }
0x26: {  	[sflag:s10] =	ssyncset.done $0x0  }
0x27: {  	s0 =	simm.s32 $0x4400;
	[sflag:s10] =	ssyncadd.s32 $0xFFFFFE00  }
0x28: {  	[tilespmem:s0], [sflag:$0x2] =	stream.indirect.gather [hbm4b:s6+s11], $0x20, s18, s11, $0xb8;
	[tilespmem:$0x10C00] =	vst v63  }
0x29: {  	_ = 	snop  }
0x2a: {  	[tilespmem:s21], [sflag:$0x2] =	stream.indirect.gather [hbm4b:s6+s11], $0x20, s20, s11, $0xb8;
	[tilespmem:$0x10C00] =	vst v63  }
0x2b: {  	_ = 	snop  }
0x2c: {  	[tilespmem:s23], [sflag:$0x2] =	stream.indirect.gather [hbm4b:s6+s11], $0x20, s22, s11, $0xb8;
	[tilespmem:$0x10C00] =	vst v63  }
0x2d: {  	_ = 	snop  }
0x2e: {  	[tilespmem:s25], [sflag:$0x2] =	stream.indirect.gather [hbm4b:s6+s11], $0x20, s24, s11, $0xb8;
	[tilespmem:$0x10C00] =	vst v63  }
0x2f: {  	_ =	swait.ge [sflag:s26], $0x1000  }
0x30: {  	[sflag:s26] =	ssyncset.done $0x0  }
0x31: {  	[sflag:s26] =	ssyncadd.s32 $0xFFFFF000  }
0x32: {  	_ =	swait.ge [sflag:s26], $0x1000  }
0x33: {  	[sflag:s26] =	ssyncset.done $0x0  }
0x34: {  	[sflag:s26] =	ssyncadd.s32 $0xFFFFF000  }
0x35: {  	_ =	swait.ge [sflag:s26], $0x1000  }
0x36: {  	[sflag:s26] =	ssyncset.done $0x0  }
0x37: {  	s16 =	simm.s32 $0x0;
	[sflag:s26] =	ssyncadd.s32 $0xFFFFF000  }
0x38: {  	s17 =	simm.s32 $0x1;
	s9 =	simm.s32 $0x2;
	v2 =	vmov s16;
	_ =	swait.ge [sflag:s26], $0x1000  }
0x39: {  	p0 =	seq.s32 s12, $0x0;
	s19 =	simm.s32 $0x0;
	v2 =	vmul.u32 $0x440, v2;
	[sflag:s26] =	ssyncset.done $0x0  }
0x3a: {  	s16 =	simm.s32 $0x3;
	v3 =	vmov s9;
	v5 =	vmov s17;
	v8 =	vmov s19;
	s7 =	simm.s32 @!p0 $0x3;
	[sflag:s26] =	ssyncadd.s32 $0xFFFFF000  }
0x3b: {  	v4 =	vmov s16;
	v6 =	vand.u32 $0x78, v3;
	v2 =	vbroadcast v2, $0x0;
	_ =	swait.ge @!p0 [sflag:s7], $0x4000  }
0x3c: {  	v3 =	vand.u32 $0x6, v3;
	v9 =	vand.u32 $0x78, v5;
	v5 =	vand.u32 $0x5, v5;
	[sflag:s7] =	ssyncset.done @!p0 $0x0  }
0x3d: {  	s31 =	simm.s32 $0x440;
	v15 =	vand.u32 $0x4, v8;
	v7 =	vand.u32 $0x78, v4;
	v10 =	vadd.s32 v0, v2;
	[sflag:s7] =	ssyncadd.s32 @!p0 $0xFFFFC000  }
0x3e: {  	v4 =	vand.u32 $0x7, v4;
	v11 =	vadd.s32 v1, v2;
	v14 =	vadd.s32 v7, v10;
	v13 =	vld [tilespmem:s31+$0xFFFFFFC0]  }
0x3f: {  	v2 =	vand.u32 $0x78, v8;
	v12 =	vadd.s32 v9, v10;
	v14 =	vor.u32 v4, v14;
	v16 =	vld [tilespmem:s31+$0x20]  }
0x40: {  	v8 =	vadd.s32 v2, v10;
	v9 =	vadd.s32 v9, v11;
	v12 =	vor.u32 v5, v12;
	v18 =	vld [tilespmem:s31+$0xFFFFFFE0]  }
0x41: {  	v17 =	vadd.s32 v2, v11;
	v10 =	vadd.s32 v6, v10;
	v19 =	vor.u32 v15, v8;
	v2 =	vld [tilespmem:s31+$0x30]  }
0x42: {  	s16 =	simm.s32 $0x7;
	v6 =	vadd.s32 v6, v11;
	v7 =	vadd.s32 v7, v11;
	v10 =	vor.u32 v3, v10;
	s0 =	simm.s32 $0x0;
	v11 =	vld [tilespmem:s31+$0x0]  }
0x43: {  	s1 =	simm.s32 $0x6;
	v20 =	vmov s16;
	v5 =	vor.u32 v5, v9;
	v8 =	vmov s0;
	v21 =	vld [tilespmem:s31+$0xFFFFFFF0]  }
0x44: {  	s17 =	simm.s32 $0x5;
	v9 =	vmov s1;
	v22 =	vor.u32 v3, v6;
	v8 =	vmul.u32 $0x440, v8;
	v24 =	vld [tilespmem:s31+$0x10];
	[tilespmem:v14+s28+$0x0] =	vst.idx.msk $0xffff, v16  }
0x45: {  	v6 =	vmov s17;
	v7 =	vor.u32 v4, v7;
	v15 =	vor.u32 v15, v17;
	[tilespmem:v12+s28+$0x0] =	vst.idx.msk $0xffff, v18  }
0x46: {  	s19 =	simm.s32 $0x4;
	v23 =	vand.u32 $0x78, v9;
	v3 =	vand.u32 $0x6, v9;
	v9 =	vld [tilespmem:s31+$0xFFFFFFD0];
	v14 =	vbroadcast v8, $0x0;
	[tilespmem:v19+s28+$0x0] =	vst.idx.msk $0xffff, v13  }
0x47: {  	v8 =	vand.u32 $0x78, v20;
	v16 =	vmov s19;
	v18 =	vand.u32 $0x78, v6;
	[tilespmem:v10+s28+$0x0] =	vst.idx.msk $0xffff, v11  }
0x48: {  	s16 =	simm.s32 $0x4C0;
	v12 =	vand.u32 $0x5, v6;
	v6 =	vand.u32 $0x7, v20;
	v11 =	vand.u32 $0x78, v16;
	[tilespmem:v5+s28+$0x0] =	vst.idx.msk $0xffff, v21  }
0x49: {  	v4 =	vld [tilespmem:s16+$0xFFFFFFC0];
	v5 =	vand.u32 $0x4, v16;
	[tilespmem:v22+s28+$0x0] =	vst.idx.msk $0xffff, v24;
	v25 =	vadd.s32 v0, v14;
	v14 =	vadd.s32 v1, v14  }
0x4a: {  	v10 =	vld [tilespmem:s16+$0x30];
	v13 =	vadd.s32 v18, v25;
	v19 =	vadd.s32 v11, v25;
	v17 =	vadd.s32 v8, v25  }
0x4b: {  	s31 =	sshll.u32 s15, $0x9;
	v16 =	vld [tilespmem:s16+$0x20];
	v21 =	vadd.s32 v18, v14;
	v11 =	vadd.s32 v11, v14;
	v22 =	vadd.s32 v23, v25  }
0x4c: {  	s9 =	simm.s32 $0x540;
	s7 =	simm.s32 $0x8;
	s17 =	sand.u32 $0xC00, s31;
	v20 =	vadd.s32 v23, v14;
	v13 =	vor.u32 v12, v13;
	v18 =	vor.u32 v6, v17;
	v17 =	vld [tilespmem:s16+$0xFFFFFFE0]  }
.LBB2_3:
0x4d: {  	s31 =	sshrl.u32 s7, $0x7  }
0x4e: {  	v23 =	vld [tilespmem:s9+$0xFFFFFFC0];
	s1 =	sadd.s32 $0x1, s7;
	s0 =	sadd.s32 $0x2, s7;
	v19 =	vor.u32 v5, v19;
	v21 =	vor.u32 v12, v21;
	v12 =	vadd.s32 v8, v14;
	s19 =	smov.u32 s7  }
0x4f: {  	p1 =	slt.u32 s7, $0x1FC;
	s7 =	sadd.s32 $0x4, s7;
	v22 =	vor.u32 v3, v22;
	v8 =	vmov s31;
	v14 =	vmov s0;
	s0 =	sadd.s32 $0x3, s19;
	v24 =	vld [tilespmem:s16+$0x0];
	[tilespmem:v15+s28+$0x0] =	vst.idx.msk $0xffff, v9  }
0x50: {  	v20 =	vor.u32 v3, v20;
	v8 =	vmul.u32 $0x440, v8;
	v15 =	vmov s0;
	v25 =	vld [tilespmem:s16+$0xFFFFFFF0];
	[tilespmem:v7+s28+$0x0] =	vst.idx.msk $0xffff, v2;
	v2 =	vmovc v10  }
0x51: {  	v10 =	vmov s1;
	v26 =	vand.u32 $0x78, v14;
	v3 =	vand.u32 $0x6, v14;
	v27 =	vld [tilespmem:s16+$0x10];
	[tilespmem:v18+s28+$0x0] =	vst.idx.msk $0xffff, v16  }
0x52: {  	v7 =	vor.u32 v6, v12;
	v14 =	vbroadcast v8, $0x0;
	v8 =	vand.u32 $0x78, v15;
	v9 =	vld [tilespmem:s16+$0xFFFFFFD0];
	[tilespmem:v13+s28+$0x0] =	vst.idx.msk $0xffff, v17;
	s16 =	smov.u32 s9  }
0x53: {  	v16 =	vand.u32 $0x78, v10;
	v12 =	vand.u32 $0x5, v10;
	v13 =	vmov s19;
	[tilespmem:v19+s28+$0x0] =	vst.idx.msk $0xffff, v4;
	v4 =	vmovc v23  }
.Ltmp0:
0x54: {  	v6 =	vand.u32 $0x7, v15;
	v23 =	vadd.s32 v0, v14;
	v14 =	vadd.s32 v1, v14;
	[tilespmem:v22+s28+$0x0] =	vst.idx.msk $0xffff, v24;
	(pc) =	sbr.rel @p1 .LBB2_3-.Ltmp0, $4  }
0x55: {  	v15 =	vor.u32 v5, v11;
	v17 =	vand.u32 $0x78, v13;
	v18 =	vadd.s32 v16, v23;
	[tilespmem:v21+s28+$0x0] =	vst.idx.msk $0xffff, v25  }
0x56: {  	v5 =	vand.u32 $0x4, v13;
	v19 =	vadd.s32 v17, v23;
	v11 =	vadd.s32 v8, v23;
	v10 =	vld [tilespmem:s9+$0x30];
	[tilespmem:v20+s28+$0x0] =	vst.idx.msk $0xffff, v27  }
0x57: {  	v21 =	vadd.s32 v16, v14;
	v13 =	vor.u32 v12, v18;
	v18 =	vor.u32 v6, v11;
	v16 =	vld [tilespmem:s9+$0x20]  }
0x58: {  	v22 =	vadd.s32 v26, v23;
	v11 =	vadd.s32 v17, v14;
	v20 =	vadd.s32 v26, v14;
	s9 =	sadd.s32 $0x80, s9;
	v17 =	vld [tilespmem:s16+$0xFFFFFFE0]  }
0x59: {  	_ =	sdelay $0x2  }
0x5a: {  	v19 =	vor.u32 v5, v19  }
0x5b: {  	[tilespmem:v15+s28+$0x0] =	vst.idx.msk $0xffff, v9;
	v58 =	vld [tilespmem:s16+$0x0];
	v59 =	vor.u32 v3, v22  }
0x5c: {  	v12 =	vor.u32 v12, v21;
	v60 =	vld [tilespmem:s16+$0xFFFFFFF0];
	[tilespmem:v7+s28+$0x0] =	vst.idx.msk $0xffff, v2  }
0x5d: {  	v2 =	vor.u32 v3, v20;
	v3 =	vld [tilespmem:s16+$0x10];
	[tilespmem:v18+s28+$0x0] =	vst.idx.msk $0xffff, v16  }
0x5e: {  	v61 =	vadd.s32 v8, v14;
	v62 =	vld [tilespmem:s16+$0xFFFFFFD0];
	v63 =	vor.u32 v5, v11;
	[tilespmem:v13+s28+$0x0] =	vst.idx.msk $0xffff, v17  }
0x5f: {  	v6 =	vor.u32 v6, v61;
	[tilespmem:v19+s28+$0x0] =	vst.idx.msk $0xffff, v4  }
0x60: {  	[tilespmem:v59+s28+$0x0] =	vst.idx.msk $0xffff, v58  }
0x61: {  	s0 =	sshll.u32 s15, $0xB;
	[tilespmem:v12+s28+$0x0] =	vst.idx.msk $0xffff, v60  }
0x62: {  	s1 =	sadd.s32 s2, s17;
	s0 =	sand.u32 $0xFFFC000, s0;
	[tilespmem:v2+s28+$0x0] =	vst.idx.msk $0xffff, v3  }
0x63: {  	s9 =	simm.s32 $0x8400;
	s7 =	sadd.s32 s0, s1;
	[tilespmem:v63+s28+$0x0] =	vst.idx.msk $0xffff, v62  }
0x64: {  	s15 =	simm.s32 $0x10;
	s16 =	simm.s32 $0x8488;
	s17 =	sadd.s32 $0x0, s7;
	[tilespmem:v6+s28+$0x0] =	vst.idx.msk $0xffff, v10  }
.LBB2_5:
0x65: {  	[hbm4b:s17+s3] =	stream.linear.scatter [tilespmem:s9], [sflag:$0x3], $0x80, $0x38;
	[tilespmem:$0x10C00] =	vst v63  }
0x66: {  	s0 =	smov.u32 s15;
	s9 =	smov.u32 s16;
	p1 =	sne.s32 s15, $0x1F0  }
.Ltmp1:
0x67: {  	s15 =	sadd.s32 $0x10, s15;
	(pc) =	sbr.rel @p1 .LBB2_5-.Ltmp1, $2  }
0x68: {  	_ =	sdelay $0x2  }
0x69: {  	s16 =	sadd.s32 $0x88, s16;
	s17 =	sadd.s32 s0, s7  }
0x6a: {  	[hbm4b:s17+s3] =	stream.linear.scatter [tilespmem:s9], [sflag:$0x3], $0x80, $0x38;
	[tilespmem:$0x10C00] =	vst v63  }
0x6b: {  	s9 =	sadd.s32 $0x1000, s7;
	s15 =	simm.s32 $0x9500  }
0x6c: {  	s16 =	simm.s32 $0x10;
	s17 =	simm.s32 $0x9588;
	s31 =	sadd.s32 $0x0, s9  }
.LBB2_7:
0x6d: {  	[hbm4b:s31+s3] =	stream.linear.scatter [tilespmem:s15], [sflag:$0x3], $0x80, $0x38;
	[tilespmem:$0x10C00] =	vst v63  }
0x6e: {  	s0 =	smov.u32 s16;
	s15 =	smov.u32 s17;
	p1 =	sne.s32 s16, $0x1F0  }
.Ltmp2:
0x6f: {  	s16 =	sadd.s32 $0x10, s16;
	(pc) =	sbr.rel @p1 .LBB2_7-.Ltmp2, $2  }
0x70: {  	_ =	sdelay $0x2  }
0x71: {  	s17 =	sadd.s32 $0x88, s17;
	s31 =	sadd.s32 s0, s9  }
0x72: {  	[hbm4b:s31+s3] =	stream.linear.scatter [tilespmem:s15], [sflag:$0x3], $0x80, $0x38;
	[tilespmem:$0x10C00] =	vst v63  }
0x73: {  	s9 =	sadd.s32 $0x2000, s7;
	s15 =	simm.s32 $0xA600  }
0x74: {  	s16 =	simm.s32 $0x10;
	s17 =	simm.s32 $0xA688;
	s31 =	sadd.s32 $0x0, s9  }
.LBB2_9:
0x75: {  	[hbm4b:s31+s3] =	stream.linear.scatter [tilespmem:s15], [sflag:$0x3], $0x80, $0x38;
	[tilespmem:$0x10C00] =	vst v63  }
0x76: {  	s0 =	smov.u32 s16;
	s15 =	smov.u32 s17;
	p1 =	sne.s32 s16, $0x1F0  }
.Ltmp3:
0x77: {  	s16 =	sadd.s32 $0x10, s16;
	(pc) =	sbr.rel @p1 .LBB2_9-.Ltmp3, $2  }
0x78: {  	_ =	sdelay $0x2  }
0x79: {  	s17 =	sadd.s32 $0x88, s17;
	s31 =	sadd.s32 s0, s9  }
0x7a: {  	[hbm4b:s31+s3] =	stream.linear.scatter [tilespmem:s15], [sflag:$0x3], $0x80, $0x38;
	[tilespmem:$0x10C00] =	vst v63  }
0x7b: {  	s7 =	sadd.s32 $0x3000, s7;
	s9 =	simm.s32 $0xB700  }
0x7c: {  	s15 =	simm.s32 $0x10;
	s16 =	simm.s32 $0xB788;
	s17 =	sadd.s32 $0x0, s7  }
.LBB2_11:
0x7d: {  	[hbm4b:s17+s3] =	stream.linear.scatter [tilespmem:s9], [sflag:$0x3], $0x80, $0x38;
	[tilespmem:$0x10C00] =	vst v63  }
0x7e: {  	s0 =	smov.u32 s15;
	s9 =	smov.u32 s16;
	p1 =	sne.s32 s15, $0x1F0  }
.Ltmp4:
0x7f: {  	s15 =	sadd.s32 $0x10, s15;
	(pc) =	sbr.rel @p1 .LBB2_11-.Ltmp4, $2  }
0x80: {  	_ =	sdelay $0x2  }
0x81: {  	s16 =	sadd.s32 $0x88, s16;
	s17 =	sadd.s32 s0, s7  }
0x82: {  	[hbm4b:s17+s3] =	stream.linear.scatter [tilespmem:s9], [sflag:$0x3], $0x80, $0x38;
	[tilespmem:$0x10C00] =	vst v63  }
0x83: {  	p1 =	seq.s32 s12, $0x18  }
0x84: {  	s0 =	sadd.s32 @!p1 s14, s8  }
0x85: {  	s0 =	sshll.u32 @!p1 s0, $0x6  }
0x86: {  	s0 =	sand.u32 @!p1 $0x1FFFFF80, s0  }
0x87: {  	s1 =	simm.s32 @!p1 $0x0;
	s0 =	sadd.s32 @!p1 s5, s0  }
0x88: {  	[tilespmem:s1], [sflag:$0x5] =	stream.linear.gather @!p1 [hbm4b:s0+s1], $0x200, $0x38;
	[tilespmem:$0x10C00] =	vst v63  }
0x89: {  	s0 =	simm.s32 @!p1 $0x5  }
0x8a: {  	_ =	swait.ge @!p1 [sflag:s0], $0x200  }
0x8b: {  	[sflag:s0] =	ssyncset.done @!p1 $0x0  }
0x8c: {  	s7 =	simm.s32 @!p1 $0x400;
	[sflag:s0] =	ssyncadd.s32 @!p1 $0xFFFFFE00;
	s0 =	simm.s32 @!p1 $0x80  }
0x8d: {  	[tilespmem:s7], [sflag:$0x1] =	stream.indirect.gather @!p1 [hbm4b:s6+s0], $0x20, s1, s0, $0xb8;
	[tilespmem:$0x10C00] =	vst v63  }
0x8e: {  	s1 =	simm.s32 @!p1 $0x1400  }
0x8f: {  	[tilespmem:s1], [sflag:$0x1] =	stream.indirect.gather @!p1 [hbm4b:s6+s0], $0x20, s0, s0, $0xb8;
	[tilespmem:$0x10C00] =	vst v63  }
0x90: {  	s7 =	simm.s32 @!p1 $0x2400;
	s1 =	simm.s32 @!p1 $0x100  }
0x91: {  	[tilespmem:s7], [sflag:$0x1] =	stream.indirect.gather @!p1 [hbm4b:s6+s0], $0x20, s1, s0, $0xb8;
	[tilespmem:$0x10C00] =	vst v63  }
0x92: {  	s1 =	simm.s32 @!p1 $0x180;
	s7 =	simm.s32 @!p1 $0x3400  }
0x93: {  	[tilespmem:s7], [sflag:$0x1] =	stream.indirect.gather @!p1 [hbm4b:s6+s0], $0x20, s1, s0, $0xb8;
	[tilespmem:$0x10C00] =	vst v63  }
0x94: {  	_ =	swait.ge [sflag:s29], $0x1000  }
0x95: {  	[sflag:s29] =	ssyncset.done $0x0  }
0x96: {  	[sflag:s29] =	ssyncadd.s32 $0xFFFFF000  }
0x97: {  	_ =	swait.ge [sflag:s29], $0x1000  }
0x98: {  	[sflag:s29] =	ssyncset.done $0x0  }
0x99: {  	[sflag:s29] =	ssyncadd.s32 $0xFFFFF000  }
0x9a: {  	_ =	swait.ge [sflag:s29], $0x1000  }
0x9b: {  	[sflag:s29] =	ssyncset.done $0x0  }
0x9c: {  	s16 =	simm.s32 $0x0;
	[sflag:s29] =	ssyncadd.s32 $0xFFFFF000  }
0x9d: {  	s17 =	simm.s32 $0x1;
	v2 =	vmov s16;
	_ =	swait.ge [sflag:s29], $0x1000  }
0x9e: {  	s19 =	simm.s32 $0x2;
	s31 =	simm.s32 $0x3;
	v2 =	vmul.u32 $0x440, v2;
	[sflag:s29] =	ssyncset.done $0x0  }
0x9f: {  	v3 =	vmov s19;
	v4 =	vmov s31;
	v5 =	vmov s17;
	s0 =	simm.s32 @!p0 $0x4;
	[sflag:s29] =	ssyncadd.s32 $0xFFFFF000  }
0xa0: {  	v6 =	vand.u32 $0x78, v3;
	v3 =	vand.u32 $0x6, v3;
	v2 =	vbroadcast v2, $0x0;
	_ =	swait.ge @!p0 [sflag:s0], $0x4000  }
0xa1: {  	v7 =	vand.u32 $0x78, v4;
	v9 =	vand.u32 $0x78, v5;
	v5 =	vand.u32 $0x5, v5;
	[sflag:s0] =	ssyncset.done @!p0 $0x0  }
0xa2: {  	s9 =	simm.s32 $0x4440;
	v4 =	vand.u32 $0x7, v4;
	v10 =	vadd.s32 v0, v2;
	v11 =	vadd.s32 v1, v2;
	s7 =	simm.s32 $0x0;
	[sflag:s0] =	ssyncadd.s32 @!p0 $0xFFFFC000  }
0xa3: {  	v12 =	vadd.s32 v9, v10;
	v14 =	vadd.s32 v7, v10;
	v8 =	vmov s7;
	v13 =	vld [tilespmem:s9+$0xFFFFFFC0]  }
0xa4: {  	v9 =	vadd.s32 v9, v11;
	v14 =	vor.u32 v4, v14;
	v2 =	vand.u32 $0x78, v8;
	v16 =	vld [tilespmem:s9+$0x20]  }
0xa5: {  	v12 =	vor.u32 v5, v12;
	v15 =	vand.u32 $0x4, v8;
	v8 =	vadd.s32 v2, v10;
	v18 =	vld [tilespmem:s9+$0xFFFFFFE0]  }
0xa6: {  	v17 =	vadd.s32 v2, v11;
	v10 =	vadd.s32 v6, v10;
	v19 =	vor.u32 v15, v8;
	v2 =	vld [tilespmem:s9+$0x30]  }
0xa7: {  	s14 =	simm.s32 $0x0;
	s16 =	simm.s32 $0x7;
	v7 =	vadd.s32 v7, v11;
	v6 =	vadd.s32 v6, v11;
	v10 =	vor.u32 v3, v10;
	v11 =	vld [tilespmem:s9+$0x0]  }
0xa8: {  	s15 =	simm.s32 $0x6;
	v20 =	vmov s16;
	v5 =	vor.u32 v5, v9;
	v8 =	vmov s14;
	v21 =	vld [tilespmem:s9+$0xFFFFFFF0]  }
0xa9: {  	s17 =	simm.s32 $0x5;
	v9 =	vmov s15;
	v22 =	vor.u32 v3, v6;
	v8 =	vmul.u32 $0x440, v8;
	v24 =	vld [tilespmem:s9+$0x10];
	[tilespmem:v14+s30+$0x0] =	vst.idx.msk $0xffff, v16  }
0xaa: {  	v7 =	vor.u32 v4, v7;
	v23 =	vand.u32 $0x78, v9;
	v6 =	vmov s17;
	[tilespmem:v12+s30+$0x0] =	vst.idx.msk $0xffff, v18  }
0xab: {  	s19 =	simm.s32 $0x4;
	v3 =	vand.u32 $0x6, v9;
	v15 =	vor.u32 v15, v17;
	v9 =	vld [tilespmem:s9+$0xFFFFFFD0];
	v14 =	vbroadcast v8, $0x0;
	[tilespmem:v19+s30+$0x0] =	vst.idx.msk $0xffff, v13  }
0xac: {  	v8 =	vand.u32 $0x78, v20;
	v16 =	vmov s19;
	v18 =	vand.u32 $0x78, v6;
	[tilespmem:v10+s30+$0x0] =	vst.idx.msk $0xffff, v11  }
0xad: {  	s14 =	simm.s32 $0x44C0;
	v12 =	vand.u32 $0x5, v6;
	v6 =	vand.u32 $0x7, v20;
	v11 =	vand.u32 $0x78, v16;
	[tilespmem:v5+s30+$0x0] =	vst.idx.msk $0xffff, v21  }
0xae: {  	v4 =	vld [tilespmem:s14+$0xFFFFFFC0];
	v5 =	vand.u32 $0x4, v16;
	[tilespmem:v22+s30+$0x0] =	vst.idx.msk $0xffff, v24;
	v25 =	vadd.s32 v0, v14;
	v14 =	vadd.s32 v1, v14  }
0xaf: {  	v10 =	vld [tilespmem:s14+$0x30];
	v13 =	vadd.s32 v18, v25;
	v19 =	vadd.s32 v11, v25;
	v17 =	vadd.s32 v8, v25  }
0xb0: {  	s31 =	sshll.u32 s13, $0x9;
	v16 =	vld [tilespmem:s14+$0x20];
	v21 =	vadd.s32 v18, v14;
	v11 =	vadd.s32 v11, v14;
	v22 =	vadd.s32 v23, v25  }
0xb1: {  	s15 =	sand.u32 $0xE00, s31;
	s7 =	simm.s32 $0x8;
	s9 =	simm.s32 $0x4540;
	v20 =	vadd.s32 v23, v14;
	v13 =	vor.u32 v12, v13;
	v18 =	vor.u32 v6, v17;
	v17 =	vld [tilespmem:s14+$0xFFFFFFE0]  }
.LBB2_13:
0xb2: {  	s0 =	sshrl.u32 s7, $0x7  }
0xb3: {  	v23 =	vld [tilespmem:s9+$0xFFFFFFC0];
	s1 =	sadd.s32 $0x1, s7;
	s16 =	sadd.s32 $0x2, s7;
	v19 =	vor.u32 v5, v19;
	v21 =	vor.u32 v12, v21;
	v12 =	vadd.s32 v8, v14;
	s17 =	smov.u32 s7  }
0xb4: {  	p0 =	slt.u32 s7, $0x1FC;
	s7 =	sadd.s32 $0x4, s7;
	v22 =	vor.u32 v3, v22;
	v8 =	vmov s0;
	v14 =	vmov s16;
	s0 =	sadd.s32 $0x3, s17;
	v24 =	vld [tilespmem:s14+$0x0];
	[tilespmem:v15+s30+$0x0] =	vst.idx.msk $0xffff, v9  }
0xb5: {  	v20 =	vor.u32 v3, v20;
	v8 =	vmul.u32 $0x440, v8;
	v15 =	vmov s0;
	v25 =	vld [tilespmem:s14+$0xFFFFFFF0];
	[tilespmem:v7+s30+$0x0] =	vst.idx.msk $0xffff, v2;
	v2 =	vmovc v10  }
0xb6: {  	v10 =	vmov s1;
	v26 =	vand.u32 $0x78, v14;
	v3 =	vand.u32 $0x6, v14;
	v27 =	vld [tilespmem:s14+$0x10];
	[tilespmem:v18+s30+$0x0] =	vst.idx.msk $0xffff, v16  }
0xb7: {  	v7 =	vor.u32 v6, v12;
	v14 =	vbroadcast v8, $0x0;
	v8 =	vand.u32 $0x78, v15;
	v9 =	vld [tilespmem:s14+$0xFFFFFFD0];
	[tilespmem:v13+s30+$0x0] =	vst.idx.msk $0xffff, v17;
	s14 =	smov.u32 s9  }
0xb8: {  	v16 =	vand.u32 $0x78, v10;
	v12 =	vand.u32 $0x5, v10;
	v13 =	vmov s17;
	[tilespmem:v19+s30+$0x0] =	vst.idx.msk $0xffff, v4;
	v4 =	vmovc v23  }
.Ltmp5:
0xb9: {  	v6 =	vand.u32 $0x7, v15;
	v23 =	vadd.s32 v0, v14;
	v14 =	vadd.s32 v1, v14;
	[tilespmem:v22+s30+$0x0] =	vst.idx.msk $0xffff, v24;
	(pc) =	sbr.rel @p0 .LBB2_13-.Ltmp5, $4  }
0xba: {  	v15 =	vor.u32 v5, v11;
	v17 =	vand.u32 $0x78, v13;
	v18 =	vadd.s32 v16, v23;
	[tilespmem:v21+s30+$0x0] =	vst.idx.msk $0xffff, v25  }
0xbb: {  	v5 =	vand.u32 $0x4, v13;
	v19 =	vadd.s32 v17, v23;
	v11 =	vadd.s32 v8, v23;
	v10 =	vld [tilespmem:s9+$0x30];
	[tilespmem:v20+s30+$0x0] =	vst.idx.msk $0xffff, v27  }
0xbc: {  	v21 =	vadd.s32 v16, v14;
	v13 =	vor.u32 v12, v18;
	v18 =	vor.u32 v6, v11;
	v16 =	vld [tilespmem:s9+$0x20]  }
0xbd: {  	v22 =	vadd.s32 v26, v23;
	v11 =	vadd.s32 v17, v14;
	v20 =	vadd.s32 v26, v14;
	s9 =	sadd.s32 $0x80, s9;
	v17 =	vld [tilespmem:s14+$0xFFFFFFE0]  }
0xbe: {  	_ =	sdelay $0x2  }
0xbf: {  	v19 =	vor.u32 v5, v19  }
0xc0: {  	[tilespmem:v15+s30+$0x0] =	vst.idx.msk $0xffff, v9;
	v58 =	vld [tilespmem:s14+$0x0];
	v59 =	vor.u32 v3, v22  }
0xc1: {  	v12 =	vor.u32 v12, v21;
	v60 =	vld [tilespmem:s14+$0xFFFFFFF0];
	[tilespmem:v7+s30+$0x0] =	vst.idx.msk $0xffff, v2  }
0xc2: {  	v2 =	vor.u32 v3, v20;
	v3 =	vld [tilespmem:s14+$0x10];
	[tilespmem:v18+s30+$0x0] =	vst.idx.msk $0xffff, v16  }
0xc3: {  	v61 =	vadd.s32 v8, v14;
	v62 =	vld [tilespmem:s14+$0xFFFFFFD0];
	v63 =	vor.u32 v5, v11;
	[tilespmem:v13+s30+$0x0] =	vst.idx.msk $0xffff, v17  }
0xc4: {  	v6 =	vor.u32 v6, v61;
	[tilespmem:v19+s30+$0x0] =	vst.idx.msk $0xffff, v4  }
0xc5: {  	[tilespmem:v59+s30+$0x0] =	vst.idx.msk $0xffff, v58  }
0xc6: {  	s0 =	sshll.u32 s13, $0xB;
	[tilespmem:v12+s30+$0x0] =	vst.idx.msk $0xffff, v60  }
0xc7: {  	s1 =	sadd.s32 s2, s15;
	s0 =	sand.u32 $0xFFFC000, s0;
	[tilespmem:v2+s30+$0x0] =	vst.idx.msk $0xffff, v3  }
0xc8: {  	s9 =	simm.s32 $0xC800;
	s7 =	sadd.s32 s0, s1;
	[tilespmem:v63+s30+$0x0] =	vst.idx.msk $0xffff, v62  }
0xc9: {  	s13 =	simm.s32 $0x10;
	s14 =	simm.s32 $0xC888;
	s15 =	sadd.s32 $0x0, s7;
	[tilespmem:v6+s30+$0x0] =	vst.idx.msk $0xffff, v10  }
.LBB2_15:
0xca: {  	[hbm4b:s15+s3] =	stream.linear.scatter [tilespmem:s9], [sflag:$0x4], $0x80, $0x38;
	[tilespmem:$0x10C00] =	vst v63  }
0xcb: {  	s0 =	smov.u32 s13;
	s9 =	smov.u32 s14;
	p0 =	sne.s32 s13, $0x1F0  }
.Ltmp6:
0xcc: {  	s13 =	sadd.s32 $0x10, s13;
	(pc) =	sbr.rel @p0 .LBB2_15-.Ltmp6, $2  }
0xcd: {  	_ =	sdelay $0x2  }
0xce: {  	s14 =	sadd.s32 $0x88, s14;
	s15 =	sadd.s32 s0, s7  }
0xcf: {  	[hbm4b:s15+s3] =	stream.linear.scatter [tilespmem:s9], [sflag:$0x4], $0x80, $0x38;
	[tilespmem:$0x10C00] =	vst v63  }
0xd0: {  	s9 =	sadd.s32 $0x1000, s7;
	s13 =	simm.s32 $0xD900  }
0xd1: {  	s14 =	simm.s32 $0x10;
	s15 =	simm.s32 $0xD988;
	s16 =	sadd.s32 $0x0, s9  }
.LBB2_17:
0xd2: {  	[hbm4b:s16+s3] =	stream.linear.scatter [tilespmem:s13], [sflag:$0x4], $0x80, $0x38;
	[tilespmem:$0x10C00] =	vst v63  }
0xd3: {  	s0 =	smov.u32 s14;
	s13 =	smov.u32 s15;
	p0 =	sne.s32 s14, $0x1F0  }
.Ltmp7:
0xd4: {  	s14 =	sadd.s32 $0x10, s14;
	(pc) =	sbr.rel @p0 .LBB2_17-.Ltmp7, $2  }
0xd5: {  	_ =	sdelay $0x2  }
0xd6: {  	s15 =	sadd.s32 $0x88, s15;
	s16 =	sadd.s32 s0, s9  }
0xd7: {  	[hbm4b:s16+s3] =	stream.linear.scatter [tilespmem:s13], [sflag:$0x4], $0x80, $0x38;
	[tilespmem:$0x10C00] =	vst v63  }
0xd8: {  	s9 =	sadd.s32 $0x2000, s7;
	s13 =	simm.s32 $0xEA00  }
0xd9: {  	s14 =	simm.s32 $0x10;
	s15 =	simm.s32 $0xEA88;
	s16 =	sadd.s32 $0x0, s9  }
.LBB2_19:
0xda: {  	[hbm4b:s16+s3] =	stream.linear.scatter [tilespmem:s13], [sflag:$0x4], $0x80, $0x38;
	[tilespmem:$0x10C00] =	vst v63  }
0xdb: {  	s0 =	smov.u32 s14;
	s13 =	smov.u32 s15;
	p0 =	sne.s32 s14, $0x1F0  }
.Ltmp8:
0xdc: {  	s14 =	sadd.s32 $0x10, s14;
	(pc) =	sbr.rel @p0 .LBB2_19-.Ltmp8, $2  }
0xdd: {  	_ =	sdelay $0x2  }
0xde: {  	s15 =	sadd.s32 $0x88, s15;
	s16 =	sadd.s32 s0, s9  }
0xdf: {  	[hbm4b:s16+s3] =	stream.linear.scatter [tilespmem:s13], [sflag:$0x4], $0x80, $0x38;
	[tilespmem:$0x10C00] =	vst v63  }
0xe0: {  	s7 =	sadd.s32 $0x3000, s7;
	s9 =	simm.s32 $0xFB00  }
0xe1: {  	s13 =	simm.s32 $0x10;
	s14 =	simm.s32 $0xFB88;
	s15 =	sadd.s32 $0x0, s7  }
.LBB2_21:
0xe2: {  	[hbm4b:s15+s3] =	stream.linear.scatter [tilespmem:s9], [sflag:$0x4], $0x80, $0x38;
	[tilespmem:$0x10C00] =	vst v63  }
0xe3: {  	s0 =	smov.u32 s13;
	s9 =	smov.u32 s14;
	p0 =	sne.s32 s13, $0x1F0  }
.Ltmp9:
0xe4: {  	s13 =	sadd.s32 $0x10, s13;
	(pc) =	sbr.rel @p0 .LBB2_21-.Ltmp9, $2  }
0xe5: {  	_ =	sdelay $0x2  }
0xe6: {  	s14 =	sadd.s32 $0x88, s14;
	s15 =	sadd.s32 s0, s7  }
0xe7: {  	s12 =	sadd.s32 $0x1, s12  }
0xe8: {  	p0 =	sne.s32 s12, $0x19  }
.Ltmp10:
0xe9: {  	_ = 	snop;
	(pc) =	sbr.rel @p0 .LBB2_2-.Ltmp10, $2  }
0xea: {  	_ =	sdelay $0x2  }
0xeb: {  	[hbm4b:s15+s3] =	stream.linear.scatter [tilespmem:s9], [sflag:$0x4], $0x80, $0x38;
	[tilespmem:$0x10C00] =	vst v63  }
0xec: {  	s0 =	simm.s32 $0x3  }
0xed: {  	_ =	swait.ge [sflag:s0], $0x4000  }
0xee: {  	[sflag:s0] =	ssyncset.done $0x0  }
0xef: {  	s1 =	simm.s32 $0x4;
	[sflag:s0] =	ssyncadd.s32 $0xFFFFC000  }
0xf0: {  	_ =	swait.ge [sflag:s1], $0x4000  }
0xf1: {  	s7 =	rddreg [dreg:$0x5]  }
0xf2: {  	s31 =	rddreg [dreg:$0x4];
	s7 =	sadd.s32 $0x1, s7  }
0xf3: {  	p0 =	sne.s32 s7, s31  }
.Ltmp11:
0xf4: {  	_ = 	snop;
	(pc) =	sbr.rel @p0 .LBB2_1-.Ltmp11, $3  }
0xf5: {  	_ =	sdelay $0x1  }
0xf6: {  	[sflag:s1] =	ssyncset.done $0x0  }
0xf7: {  	[sflag:s1] =	ssyncadd.s32 $0xFFFFC000  }
0xf8: {  	_ =	sfence.sel $0x180000  }
0xf9: {  	[bflag:$0x0] =	sbarrier.arrive $0xFFFF  }
0xfa: {  	_ =	strace $0x90000047  }
0xfb: {  	s0 =	stileid.u32;
	[bflag:$0x2] =	sbarrier.arrive $0xFFFF  }
0xfc: {  	p0 =	sne.s32 s0, $0x0;
	s0 =	rddreg [dreg:$0x2]  }
0xfd: {  	s0 =	sadd.s32 @!p0 $0x100000, s0  }
0xfe: {  	[sflag:s0] =	ssyncadd.tile.s32 @!p0 $0x1;
	_ =	shalt  }
.Lfunc_end2:
_tile_overlayer_lowered:
.L_overlay_start_2:
0xff: {  	(tag) =	ssettag $0x2  }
0x100: {  	s0 =	rddreg [dreg:$0x0];
	s2 =	stileid.u32  }
0x101: {  	s1 =	rddreg [dreg:$0x1];
	p0 =	sne.s32 s2, $0x0  }
0x102: {  	s3 =	rddreg [dreg:$0x2];
	[bflag:$0x3] =	sbarrier.arrive $0xFFFF;
	s2 =	simm.s32 @!p0 $0x1C05  }
0x103: {  	[timem:s3], [sflag:s2] =	dma.local @!p0 [hbm:s0], s1  }
0x104: {  	s0 =	simm.s32 @!p0 $0x5  }
0x105: {  	_ =	swait.ge @!p0 [sflag:s0], s1  }
0x106: {  	s1 =	ssub.s32 @!p0 $0x0, s1;
	[sflag:s0] =	ssyncset.done @!p0 $0x0  }
0x107: {  	[sflag:s0] =	ssyncadd.s32 @!p0 s1  }
0x108: {  	[bflag:$0x3] =	sbarrier.arrive $0xFFFF  }
0x109: {  	_ =	shalt  }

</sc_bundles>
